<compile_context>
chip_gen: v7x
topology: tpu7x:2x2x1
jax: 0.10.2.dev20260603
libtpu: 0.0.44.dev20260713+nightly
codegen_flags: <defaults>
</compile_context>

<pallas_src>
import jax
import jax.numpy as jnp
from jax import lax
from jax.experimental import pallas as pl
from jax.experimental.pallas import tpu as pltpu
from jax.experimental.pallas import tpu_sc as plsc

N_NODES = 10000
D = 128
N_EDGES = 320000

NC = 2
NS = 16
NW = NC * NS
B = 64
NBUF = 4
K = 160
EP = NW * K * B
NP = 10112
DUMP = N_NODES
RPT = NP // NS


def _sc_body(x_hbm, src_hbm, dst_hbm, out_hbm, acc, sidx, didx, bufs,
             isems, dsems, gsems, ssems):
    cid = lax.axis_index("c")
    sid = lax.axis_index("s")
    wid = cid * NS + sid

    zero16 = jnp.zeros((16,), jnp.float32)

    def _zrow(i, _):
        for l in range(D // 16):
            bufs[0, i, l * 16:(l + 1) * 16] = zero16
        return _

    lax.fori_loop(0, B, _zrow, None)
    base = sid * RPT
    for z in range((RPT + B - 1) // B):
        n = min(B, RPT - z * B)
        pltpu.sync_copy(bufs.at[0, pl.ds(0, n)],
                        acc.at[pl.ds(base + z * B, n)])
    plsc.subcore_barrier()

    def _wait_gather(b):
        pltpu.make_async_copy(x_hbm.at[sidx.at[b]], bufs.at[b],
                              gsems[b]).wait()

    def _fire_gather(b):
        pltpu.async_copy(x_hbm.at[sidx.at[b]], bufs.at[b], gsems[b])

    def _fire_scatter(b):
        pltpu.async_copy(bufs.at[b], acc.at[didx.at[b]], ssems[b], add=True)

    def _wait_scatter(b):
        pltpu.make_async_copy(bufs.at[b], acc.at[didx.at[b]],
                              ssems[b]).wait()

    for c in range(NBUF):
        pltpu.async_copy(src_hbm.at[wid, c], sidx.at[c], isems[c])
    for c in range(2):
        pltpu.async_copy(dst_hbm.at[wid, c], didx.at[c], dsems[c])
    for c in range(2):
        pltpu.make_async_copy(src_hbm.at[wid, c], sidx.at[c],
                              isems[c]).wait()
        _fire_gather(c)

    G = K // NBUF

    def _group(g, _):
        for u in range(NBUF):
            j = g * NBUF + u
            b = u
            c = (u + 2) % NBUF
            _wait_gather(b)

            @pl.when(j + NBUF < K)
            def _():
                pltpu.async_copy(src_hbm.at[wid, j + NBUF],
                                 sidx.at[b], isems[b])

            pltpu.make_async_copy(dst_hbm.at[wid, j], didx.at[b],
                                  dsems[b]).wait()
            _fire_scatter(b)

            @pl.when(j >= 2)
            def _():
                _wait_scatter(c)

            @pl.when(j + 2 < K)
            def _():
                pltpu.async_copy(dst_hbm.at[wid, j + 2], didx.at[c],
                                 dsems[c])
                pltpu.make_async_copy(src_hbm.at[wid, j + 2], sidx.at[c],
                                      isems[c]).wait()
                _fire_gather(c)
        return _

    lax.fori_loop(0, G, _group, None)
    for c in range(2):
        _wait_scatter((K - 2 + c) % NBUF)
    plsc.subcore_barrier()

    pltpu.sync_copy(acc.at[pl.ds(base, RPT)],
                    out_hbm.at[cid, pl.ds(base, RPT)])


def _combine_body(p_ref, o_ref):
    o_ref[...] = p_ref[0] + p_ref[1]


@jax.jit
def kernel(x, edge_index):
    ei = edge_index.astype(jnp.int32)
    pad = EP - N_EDGES
    src = jnp.concatenate([ei[0], jnp.zeros((pad,), jnp.int32)])
    dst = jnp.concatenate([ei[1], jnp.full((pad,), DUMP, jnp.int32)])
    src3 = src.reshape(NW, K, B)
    dst3 = dst.reshape(NW, K, B)

    mesh = plsc.VectorSubcoreMesh(core_axis_name="c", subcore_axis_name="s",
                                  num_cores=NC, num_subcores=NS)
    partials = pl.kernel(
        _sc_body,
        out_type=jax.ShapeDtypeStruct((NC, NP, D), jnp.float32),
        mesh=mesh,
        scratch_types=[
            pltpu.VMEM_SHARED((NP, D), jnp.float32),
            pltpu.VMEM((NBUF, B), jnp.int32),
            pltpu.VMEM((NBUF, B), jnp.int32),
            pltpu.VMEM((NBUF, B, D), jnp.float32),
            [pltpu.SemaphoreType.DMA] * NBUF,
            [pltpu.SemaphoreType.DMA] * NBUF,
            [pltpu.SemaphoreType.DMA] * NBUF,
            [pltpu.SemaphoreType.DMA] * NBUF,
        ],
    )(x, src3, dst3)

    out = pl.pallas_call(
        _combine_body,
        out_shape=jax.ShapeDtypeStruct((NP, D), jnp.float32),
    )(partials)
    return out[:N_NODES]

# --- scband reference (transcript-rebuilt; emitter-appended) ---
"""Pipeline reference for scband-message-passing-42992622633778 (READ-ONLY COPY).

The authoritative reference and input builder live on the scoring server;
editing this copy changes nothing except your own understanding.
"""

import jax, jax.numpy as jnp
import numpy as np

N_NODES = 10000
N_EDGES = 320000
D_FEAT = 128

def setup_inputs(seed: int = 0) -> dict:
    key = jax.random.key(seed)
    kx, ke = jax.random.split(key)
    x = jax.random.normal(kx, (N_NODES, D_FEAT), dtype=jnp.float32)
    edge_index = jax.random.randint(ke, (2, N_EDGES), 0, N_NODES, dtype=jnp.int64)
    return {"x": x, "edge_index": edge_index}

def reference(x, edge_index):
    # MessagePassing base class semantics with aggr='sum',
    # flow='source_to_target', default message(x_j)=x_j, update(out)=out.
    # j = edge_index[0] (source), i = edge_index[1] (target).
    src = edge_index[0]
    dst = edge_index[1]
    # __lift__: gather source-node features along node_dim
    msgs = jnp.take(x, src, axis=0)
    # aggregate: scatter-add into target nodes (dim_size = N)
    out = jax.ops.segment_sum(msgs, dst, num_segments=N_NODES)
    return out

if __name__ == "__main__":
    import jax
    _d = setup_inputs()
    print(jax.jit(kernel)(*tuple(_d.values())))

</pallas_src>

<mosaic_0001>
#map = affine_map<(d0, d1) -> (0, 0)>
#map1 = affine_map<(d0, d1) -> (0, 0, 0)>
module attributes {stable_mosaic.version = 14 : i64} {
  func.func @_sc_body(%arg0: i32, %arg1: i32, %arg2: memref<10000x128xf32, #tpu.memory_space<hbm>>, %arg3: memref<32x160x64xi32, #tpu.memory_space<hbm>>, %arg4: memref<32x160x64xi32, #tpu.memory_space<hbm>>, %arg5: memref<2x10112x128xf32, #tpu.memory_space<hbm>>, %arg6: memref<10112x128xf32, #tpu.memory_space<vmem_shared>>, %arg7: memref<4x64xi32, #tpu.memory_space<vmem>>, %arg8: memref<4x64xi32, #tpu.memory_space<vmem>>, %arg9: memref<4x64x128xf32, #tpu.memory_space<vmem>>, %arg10: memref<!tpu.dma_semaphore, #tpu.memory_space<semaphore_mem>>, %arg11: memref<!tpu.dma_semaphore, #tpu.memory_space<semaphore_mem>>, %arg12: memref<!tpu.dma_semaphore, #tpu.memory_space<semaphore_mem>>, %arg13: memref<!tpu.dma_semaphore, #tpu.memory_space<semaphore_mem>>, %arg14: memref<!tpu.dma_semaphore, #tpu.memory_space<semaphore_mem>>, %arg15: memref<!tpu.dma_semaphore, #tpu.memory_space<semaphore_mem>>, %arg16: memref<!tpu.dma_semaphore, #tpu.memory_space<semaphore_mem>>, %arg17: memref<!tpu.dma_semaphore, #tpu.memory_space<semaphore_mem>>, %arg18: memref<!tpu.dma_semaphore, #tpu.memory_space<semaphore_mem>>, %arg19: memref<!tpu.dma_semaphore, #tpu.memory_space<semaphore_mem>>, %arg20: memref<!tpu.dma_semaphore, #tpu.memory_space<semaphore_mem>>, %arg21: memref<!tpu.dma_semaphore, #tpu.memory_space<semaphore_mem>>, %arg22: memref<!tpu.dma_semaphore, #tpu.memory_space<semaphore_mem>>, %arg23: memref<!tpu.dma_semaphore, #tpu.memory_space<semaphore_mem>>, %arg24: memref<!tpu.dma_semaphore, #tpu.memory_space<semaphore_mem>>, %arg25: memref<!tpu.dma_semaphore, #tpu.memory_space<semaphore_mem>>) attributes {dimension_semantics = [#tpu.dimension_semantics<core_parallel>, #tpu.dimension_semantics<subcore_parallel>], iteration_bounds = array<i64: 2, 16>, scalar_prefetch = 0 : i64, scratch_operands = 20 : i64, tpu.core_type = #tpu.core_type<sc_vector_subcore>, window_params = [{transform_indices = #map}, {transform_indices = #map1}, {transform_indices = #map1}, {transform_indices = #map1}]} {
    %mul3A = arith.constant 16 : i32
    %mul3A_0 = arith.muli %arg0, %mul3A : i32
    %add3A = arith.addi %mul3A_0, %arg1 : i32
    %broadcast_in_dim3A = arith.constant 0.000000e+00 : f32
    %broadcast_in_dim3A_1 = vector.broadcast %broadcast_in_dim3A : f32 to vector<16xf32>
    %scan3A = arith.constant 0 : i32
    %scan3A_2 = arith.constant 64 : i32
    %scan3A_3 = arith.addi %scan3A, %scan3A_2 : i32
    %scan3A_4 = arith.constant 1 : i32
    scf.for %scan3A_201 = %scan3A to %scan3A_3 step %scan3A_4  : i32 {
      %swap3A = arith.constant 0 : i32
      %swap3A_202 = arith.index_cast %swap3A : i32 to index
      %swap3A_203 = arith.index_cast %scan3A_201 : i32 to index
      %swap3A_204 = arith.constant 0 : index
      %swap3A_205 = tpu.vector_load %arg9[%swap3A_202, %swap3A_203, %swap3A_204] {strides = array<i32>} : memref<4x64x128xf32, #tpu.memory_space<vmem>>, vector<1x1x16xf32>,
      %swap3A_206 = vector.shape_cast %swap3A_205 : vector<1x1x16xf32> to vector<16xf32>
      %swap3A_207 = vector.shape_cast %broadcast_in_dim3A_1 : vector<16xf32> to vector<1x1x16xf32>
      tpu.vector_store %arg9[%swap3A_202, %swap3A_203, %swap3A_204], %swap3A_207 {strides = array<i32>} : memref<4x64x128xf32, #tpu.memory_space<vmem>>, vector<1x1x16xf32>,
      %swap3A_208 = arith.constant 0 : i32
      %swap3A_209 = arith.index_cast %swap3A_208 : i32 to index
      %swap3A_210 = arith.index_cast %scan3A_201 : i32 to index
      %swap3A_211 = arith.constant 16 : index
      %swap3A_212 = tpu.vector_load %arg9[%swap3A_209, %swap3A_210, %swap3A_211] {strides = array<i32>} : memref<4x64x128xf32, #tpu.memory_space<vmem>>, vector<1x1x16xf32>,
      %swap3A_213 = vector.shape_cast %swap3A_212 : vector<1x1x16xf32> to vector<16xf32>
      %swap3A_214 = vector.shape_cast %broadcast_in_dim3A_1 : vector<16xf32> to vector<1x1x16xf32>
      tpu.vector_store %arg9[%swap3A_209, %swap3A_210, %swap3A_211], %swap3A_214 {strides = array<i32>} : memref<4x64x128xf32, #tpu.memory_space<vmem>>, vector<1x1x16xf32>,
      %swap3A_215 = arith.constant 0 : i32
      %swap3A_216 = arith.index_cast %swap3A_215 : i32 to index
      %swap3A_217 = arith.index_cast %scan3A_201 : i32 to index
      %swap3A_218 = arith.constant 32 : index
      %swap3A_219 = tpu.vector_load %arg9[%swap3A_216, %swap3A_217, %swap3A_218] {strides = array<i32>} : memref<4x64x128xf32, #tpu.memory_space<vmem>>, vector<1x1x16xf32>,
      %swap3A_220 = vector.shape_cast %swap3A_219 : vector<1x1x16xf32> to vector<16xf32>
      %swap3A_221 = vector.shape_cast %broadcast_in_dim3A_1 : vector<16xf32> to vector<1x1x16xf32>
      tpu.vector_store %arg9[%swap3A_216, %swap3A_217, %swap3A_218], %swap3A_221 {strides = array<i32>} : memref<4x64x128xf32, #tpu.memory_space<vmem>>, vector<1x1x16xf32>,
      %swap3A_222 = arith.constant 0 : i32
      %swap3A_223 = arith.index_cast %swap3A_222 : i32 to index
      %swap3A_224 = arith.index_cast %scan3A_201 : i32 to index
      %swap3A_225 = arith.constant 48 : index
      %swap3A_226 = tpu.vector_load %arg9[%swap3A_223, %swap3A_224, %swap3A_225] {strides = array<i32>} : memref<4x64x128xf32, #tpu.memory_space<vmem>>, vector<1x1x16xf32>,
      %swap3A_227 = vector.shape_cast %swap3A_226 : vector<1x1x16xf32> to vector<16xf32>
      %swap3A_228 = vector.shape_cast %broadcast_in_dim3A_1 : vector<16xf32> to vector<1x1x16xf32>
      tpu.vector_store %arg9[%swap3A_223, %swap3A_224, %swap3A_225], %swap3A_228 {strides = array<i32>} : memref<4x64x128xf32, #tpu.memory_space<vmem>>, vector<1x1x16xf32>,
      %swap3A_229 = arith.constant 0 : i32
      %swap3A_230 = arith.index_cast %swap3A_229 : i32 to index
      %swap3A_231 = arith.index_cast %scan3A_201 : i32 to index
      %swap3A_232 = arith.constant 64 : index
      %swap3A_233 = tpu.vector_load %arg9[%swap3A_230, %swap3A_231, %swap3A_232] {strides = array<i32>} : memref<4x64x128xf32, #tpu.memory_space<vmem>>, vector<1x1x16xf32>,
      %swap3A_234 = vector.shape_cast %swap3A_233 : vector<1x1x16xf32> to vector<16xf32>
      %swap3A_235 = vector.shape_cast %broadcast_in_dim3A_1 : vector<16xf32> to vector<1x1x16xf32>
      tpu.vector_store %arg9[%swap3A_230, %swap3A_231, %swap3A_232], %swap3A_235 {strides = array<i32>} : memref<4x64x128xf32, #tpu.memory_space<vmem>>, vector<1x1x16xf32>,
      %swap3A_236 = arith.constant 0 : i32
      %swap3A_237 = arith.index_cast %swap3A_236 : i32 to index
      %swap3A_238 = arith.index_cast %scan3A_201 : i32 to index
      %swap3A_239 = arith.constant 80 : index
      %swap3A_240 = tpu.vector_load %arg9[%swap3A_237, %swap3A_238, %swap3A_239] {strides = array<i32>} : memref<4x64x128xf32, #tpu.memory_space<vmem>>, vector<1x1x16xf32>,
      %swap3A_241 = vector.shape_cast %swap3A_240 : vector<1x1x16xf32> to vector<16xf32>
      %swap3A_242 = vector.shape_cast %broadcast_in_dim3A_1 : vector<16xf32> to vector<1x1x16xf32>
      tpu.vector_store %arg9[%swap3A_237, %swap3A_238, %swap3A_239], %swap3A_242 {strides = array<i32>} : memref<4x64x128xf32, #tpu.memory_space<vmem>>, vector<1x1x16xf32>,
      %swap3A_243 = arith.constant 0 : i32
      %swap3A_244 = arith.index_cast %swap3A_243 : i32 to index
      %swap3A_245 = arith.index_cast %scan3A_201 : i32 to index
      %swap3A_246 = arith.constant 96 : index
      %swap3A_247 = tpu.vector_load %arg9[%swap3A_244, %swap3A_245, %swap3A_246] {strides = array<i32>} : memref<4x64x128xf32, #tpu.memory_space<vmem>>, vector<1x1x16xf32>,
      %swap3A_248 = vector.shape_cast %swap3A_247 : vector<1x1x16xf32> to vector<16xf32>
      %swap3A_249 = vector.shape_cast %broadcast_in_dim3A_1 : vector<16xf32> to vector<1x1x16xf32>
      tpu.vector_store %arg9[%swap3A_244, %swap3A_245, %swap3A_246], %swap3A_249 {strides = array<i32>} : memref<4x64x128xf32, #tpu.memory_space<vmem>>, vector<1x1x16xf32>,
      %swap3A_250 = arith.constant 0 : i32
      %swap3A_251 = arith.index_cast %swap3A_250 : i32 to index
      %swap3A_252 = arith.index_cast %scan3A_201 : i32 to index
      %swap3A_253 = arith.constant 112 : index
      %swap3A_254 = tpu.vector_load %arg9[%swap3A_251, %swap3A_252, %swap3A_253] {strides = array<i32>} : memref<4x64x128xf32, #tpu.memory_space<vmem>>, vector<1x1x16xf32>,
      %swap3A_255 = vector.shape_cast %swap3A_254 : vector<1x1x16xf32> to vector<16xf32>
      %swap3A_256 = vector.shape_cast %broadcast_in_dim3A_1 : vector<16xf32> to vector<1x1x16xf32>
      tpu.vector_store %arg9[%swap3A_251, %swap3A_252, %swap3A_253], %swap3A_256 {strides = array<i32>} : memref<4x64x128xf32, #tpu.memory_space<vmem>>, vector<1x1x16xf32>,
    }
    %scan3A_5 = arith.constant 64 : i32
    %mul3A_6 = arith.constant 632 : i32
    %mul3A_7 = arith.muli %arg1, %mul3A_6 : i32
    %add3A_8 = arith.constant 0 : i32
    %add3A_9 = arith.addi %mul3A_7, %add3A_8 : i32
    %run_scoped3A = arith.constant 0 : i32
    "tpu.region"() ({
      %run_scoped3A_201 = tpu.sem_alloc : memref<!tpu.dma_semaphore, #tpu.memory_space<semaphore_mem>>
      %dma_start3A_202 = arith.constant 0 : i32
      %dma_start3A_203 = arith.constant 0 : i32
      %dma_start3A_204 = tpu.memref_slice %arg9[%run_scoped3A, %dma_start3A_202, %dma_start3A_203] : memref<4x64x128xf32, #tpu.memory_space<vmem>> -> memref<1x64x128xf32, #tpu.memory_space<vmem>>
      %dma_start3A_205 = tpu.memref_squeeze %dma_start3A_204 : memref<1x64x128xf32, #tpu.memory_space<vmem>> -> memref<64x128xf32, #tpu.memory_space<vmem>>
      %dma_start3A_206 = arith.constant 0 : i32
      %dma_start3A_207 = tpu.memref_slice %arg6[%add3A_9, %dma_start3A_206] : memref<10112x128xf32, #tpu.memory_space<vmem_shared>> -> memref<64x128xf32, #tpu.memory_space<vmem_shared>>
      %dma_start3A_208 = arith.constant 0 : i32
      %dma_start3A_209 = tpu.memref_slice %arg6[%add3A_9, %dma_start3A_208] : memref<10112x128xf32, #tpu.memory_space<vmem_shared>> -> memref<64x128xf32, #tpu.memory_space<vmem_shared>>
      %dma_start3A_210 = arith.constant 0 : i32
      %dma_start3A_211 = arith.constant 0 : i32
      %dma_start3A_212 = tpu.memref_slice %arg9[%run_scoped3A, %dma_start3A_210, %dma_start3A_211] : memref<4x64x128xf32, #tpu.memory_space<vmem>> -> memref<1x64x128xf32, #tpu.memory_space<vmem>>
      %dma_start3A_213 = tpu.memref_squeeze %dma_start3A_212 : memref<1x64x128xf32, #tpu.memory_space<vmem>> -> memref<64x128xf32, #tpu.memory_space<vmem>>
      tpu.enqueue_dma source(%dma_start3A_213 : memref<64x128xf32, #tpu.memory_space<vmem>>) target(%dma_start3A_209 : memref<64x128xf32, #tpu.memory_space<vmem_shared>>) target_semaphore(%run_scoped3A_201 : memref<!tpu.dma_semaphore, #tpu.memory_space<semaphore_mem>>)
      %dma_wait3A_214 = arith.constant 0 : i32
      %dma_wait3A_215 = arith.constant 0 : i32
      %dma_wait3A_216 = tpu.memref_slice %arg9[%run_scoped3A, %dma_wait3A_214, %dma_wait3A_215] : memref<4x64x128xf32, #tpu.memory_space<vmem>> -> memref<1x64x128xf32, #tpu.memory_space<vmem>>
      %dma_wait3A_217 = tpu.memref_squeeze %dma_wait3A_216 : memref<1x64x128xf32, #tpu.memory_space<vmem>> -> memref<64x128xf32, #tpu.memory_space<vmem>>
      %dma_wait3A_218 = arith.constant 0 : i32
      %dma_wait3A_219 = tpu.memref_slice %arg6[%add3A_9, %dma_wait3A_218] : memref<10112x128xf32, #tpu.memory_space<vmem_shared>> -> memref<64x128xf32, #tpu.memory_space<vmem_shared>>
      %dma_wait3A_220 = arith.constant 0 : i32
      %dma_wait3A_221 = tpu.memref_slice %arg6[%add3A_9, %dma_wait3A_220] : memref<10112x128xf32, #tpu.memory_space<vmem_shared>> -> memref<64x128xf32, #tpu.memory_space<vmem_shared>>
      %dma_wait3A_222 = arith.constant 0 : i32
      %dma_wait3A_223 = arith.constant 0 : i32
      %dma_wait3A_224 = tpu.memref_slice %arg9[%run_scoped3A, %dma_wait3A_222, %dma_wait3A_223] : memref<4x64x128xf32, #tpu.memory_space<vmem>> -> memref<1x64x128xf32, #tpu.memory_space<vmem>>
      %dma_wait3A_225 = tpu.memref_squeeze %dma_wait3A_224 : memref<1x64x128xf32, #tpu.memory_space<vmem>> -> memref<64x128xf32, #tpu.memory_space<vmem>>
      tpu.wait_dma2 semaphore(%run_scoped3A_201 : memref<!tpu.dma_semaphore, #tpu.memory_space<semaphore_mem>>) src(%dma_wait3A_225 : memref<64x128xf32, #tpu.memory_space<vmem>>) dst(%dma_wait3A_221 : memref<64x128xf32, #tpu.memory_space<vmem_shared>>)
      tpu.yield
    }) : () -> ()
    %add3A_10 = arith.constant 64 : i32
    %add3A_11 = arith.addi %mul3A_7, %add3A_10 : i32
    %run_scoped3A_12 = arith.constant 0 : i32
    "tpu.region"() ({
      %run_scoped3A_201 = tpu.sem_alloc : memref<!tpu.dma_semaphore, #tpu.memory_space<semaphore_mem>>
      %dma_start3A_202 = arith.constant 0 : i32
      %dma_start3A_203 = arith.constant 0 : i32
      %dma_start3A_204 = tpu.memref_slice %arg9[%run_scoped3A_12, %dma_start3A_202, %dma_start3A_203] : memref<4x64x128xf32, #tpu.memory_space<vmem>> -> memref<1x64x128xf32, #tpu.memory_space<vmem>>
      %dma_start3A_205 = tpu.memref_squeeze %dma_start3A_204 : memref<1x64x128xf32, #tpu.memory_space<vmem>> -> memref<64x128xf32, #tpu.memory_space<vmem>>
      %dma_start3A_206 = arith.constant 0 : i32
      %dma_start3A_207 = tpu.memref_slice %arg6[%add3A_11, %dma_start3A_206] : memref<10112x128xf32, #tpu.memory_space<vmem_shared>> -> memref<64x128xf32, #tpu.memory_space<vmem_shared>>
      %dma_start3A_208 = arith.constant 0 : i32
      %dma_start3A_209 = tpu.memref_slice %arg6[%add3A_11, %dma_start3A_208] : memref<10112x128xf32, #tpu.memory_space<vmem_shared>> -> memref<64x128xf32, #tpu.memory_space<vmem_shared>>
      %dma_start3A_210 = arith.constant 0 : i32
      %dma_start3A_211 = arith.constant 0 : i32
      %dma_start3A_212 = tpu.memref_slice %arg9[%run_scoped3A_12, %dma_start3A_210, %dma_start3A_211] : memref<4x64x128xf32, #tpu.memory_space<vmem>> -> memref<1x64x128xf32, #tpu.memory_space<vmem>>
      %dma_start3A_213 = tpu.memref_squeeze %dma_start3A_212 : memref<1x64x128xf32, #tpu.memory_space<vmem>> -> memref<64x128xf32, #tpu.memory_space<vmem>>
      tpu.enqueue_dma source(%dma_start3A_213 : memref<64x128xf32, #tpu.memory_space<vmem>>) target(%dma_start3A_209 : memref<64x128xf32, #tpu.memory_space<vmem_shared>>) target_semaphore(%run_scoped3A_201 : memref<!tpu.dma_semaphore, #tpu.memory_space<semaphore_mem>>)
      %dma_wait3A_214 = arith.constant 0 : i32
      %dma_wait3A_215 = arith.constant 0 : i32
      %dma_wait3A_216 = tpu.memref_slice %arg9[%run_scoped3A_12, %dma_wait3A_214, %dma_wait3A_215] : memref<4x64x128xf32, #tpu.memory_space<vmem>> -> memref<1x64x128xf32, #tpu.memory_space<vmem>>
      %dma_wait3A_217 = tpu.memref_squeeze %dma_wait3A_216 : memref<1x64x128xf32, #tpu.memory_space<vmem>> -> memref<64x128xf32, #tpu.memory_space<vmem>>
      %dma_wait3A_218 = arith.constant 0 : i32
      %dma_wait3A_219 = tpu.memref_slice %arg6[%add3A_11, %dma_wait3A_218] : memref<10112x128xf32, #tpu.memory_space<vmem_shared>> -> memref<64x128xf32, #tpu.memory_space<vmem_shared>>
      %dma_wait3A_220 = arith.constant 0 : i32
      %dma_wait3A_221 = tpu.memref_slice %arg6[%add3A_11, %dma_wait3A_220] : memref<10112x128xf32, #tpu.memory_space<vmem_shared>> -> memref<64x128xf32, #tpu.memory_space<vmem_shared>>
      %dma_wait3A_222 = arith.constant 0 : i32
      %dma_wait3A_223 = arith.constant 0 : i32
      %dma_wait3A_224 = tpu.memref_slice %arg9[%run_scoped3A_12, %dma_wait3A_222, %dma_wait3A_223] : memref<4x64x128xf32, #tpu.memory_space<vmem>> -> memref<1x64x128xf32, #tpu.memory_space<vmem>>
      %dma_wait3A_225 = tpu.memref_squeeze %dma_wait3A_224 : memref<1x64x128xf32, #tpu.memory_space<vmem>> -> memref<64x128xf32, #tpu.memory_space<vmem>>
      tpu.wait_dma2 semaphore(%run_scoped3A_201 : memref<!tpu.dma_semaphore, #tpu.memory_space<semaphore_mem>>) src(%dma_wait3A_225 : memref<64x128xf32, #tpu.memory_space<vmem>>) dst(%dma_wait3A_221 : memref<64x128xf32, #tpu.memory_space<vmem_shared>>)
      tpu.yield
    }) : () -> ()
    %add3A_13 = arith.constant 128 : i32
    %add3A_14 = arith.addi %mul3A_7, %add3A_13 : i32
    %run_scoped3A_15 = arith.constant 0 : i32
    "tpu.region"() ({
      %run_scoped3A_201 = tpu.sem_alloc : memref<!tpu.dma_semaphore, #tpu.memory_space<semaphore_mem>>
      %dma_start3A_202 = arith.constant 0 : i32
      %dma_start3A_203 = arith.constant 0 : i32
      %dma_start3A_204 = tpu.memref_slice %arg9[%run_scoped3A_15, %dma_start3A_202, %dma_start3A_203] : memref<4x64x128xf32, #tpu.memory_space<vmem>> -> memref<1x64x128xf32, #tpu.memory_space<vmem>>
      %dma_start3A_205 = tpu.memref_squeeze %dma_start3A_204 : memref<1x64x128xf32, #tpu.memory_space<vmem>> -> memref<64x128xf32, #tpu.memory_space<vmem>>
      %dma_start3A_206 = arith.constant 0 : i32
      %dma_start3A_207 = tpu.memref_slice %arg6[%add3A_14, %dma_start3A_206] : memref<10112x128xf32, #tpu.memory_space<vmem_shared>> -> memref<64x128xf32, #tpu.memory_space<vmem_shared>>
      %dma_start3A_208 = arith.constant 0 : i32
      %dma_start3A_209 = tpu.memref_slice %arg6[%add3A_14, %dma_start3A_208] : memref<10112x128xf32, #tpu.memory_space<vmem_shared>> -> memref<64x128xf32, #tpu.memory_space<vmem_shared>>
      %dma_start3A_210 = arith.constant 0 : i32
      %dma_start3A_211 = arith.constant 0 : i32
      %dma_start3A_212 = tpu.memref_slice %arg9[%run_scoped3A_15, %dma_start3A_210, %dma_start3A_211] : memref<4x64x128xf32, #tpu.memory_space<vmem>> -> memref<1x64x128xf32, #tpu.memory_space<vmem>>
      %dma_start3A_213 = tpu.memref_squeeze %dma_start3A_212 : memref<1x64x128xf32, #tpu.memory_space<vmem>> -> memref<64x128xf32, #tpu.memory_space<vmem>>
      tpu.enqueue_dma source(%dma_start3A_213 : memref<64x128xf32, #tpu.memory_space<vmem>>) target(%dma_start3A_209 : memref<64x128xf32, #tpu.memory_space<vmem_shared>>) target_semaphore(%run_scoped3A_201 : memref<!tpu.dma_semaphore, #tpu.memory_space<semaphore_mem>>)
      %dma_wait3A_214 = arith.constant 0 : i32
      %dma_wait3A_215 = arith.constant 0 : i32
      %dma_wait3A_216 = tpu.memref_slice %arg9[%run_scoped3A_15, %dma_wait3A_214, %dma_wait3A_215] : memref<4x64x128xf32, #tpu.memory_space<vmem>> -> memref<1x64x128xf32, #tpu.memory_space<vmem>>
      %dma_wait3A_217 = tpu.memref_squeeze %dma_wait3A_216 : memref<1x64x128xf32, #tpu.memory_space<vmem>> -> memref<64x128xf32, #tpu.memory_space<vmem>>
      %dma_wait3A_218 = arith.constant 0 : i32
      %dma_wait3A_219 = tpu.memref_slice %arg6[%add3A_14, %dma_wait3A_218] : memref<10112x128xf32, #tpu.memory_space<vmem_shared>> -> memref<64x128xf32, #tpu.memory_space<vmem_shared>>
      %dma_wait3A_220 = arith.constant 0 : i32
      %dma_wait3A_221 = tpu.memref_slice %arg6[%add3A_14, %dma_wait3A_220] : memref<10112x128xf32, #tpu.memory_space<vmem_shared>> -> memref<64x128xf32, #tpu.memory_space<vmem_shared>>
      %dma_wait3A_222 = arith.constant 0 : i32
      %dma_wait3A_223 = arith.constant 0 : i32
      %dma_wait3A_224 = tpu.memref_slice %arg9[%run_scoped3A_15, %dma_wait3A_222, %dma_wait3A_223] : memref<4x64x128xf32, #tpu.memory_space<vmem>> -> memref<1x64x128xf32, #tpu.memory_space<vmem>>
      %dma_wait3A_225 = tpu.memref_squeeze %dma_wait3A_224 : memref<1x64x128xf32, #tpu.memory_space<vmem>> -> memref<64x128xf32, #tpu.memory_space<vmem>>
      tpu.wait_dma2 semaphore(%run_scoped3A_201 : memref<!tpu.dma_semaphore, #tpu.memory_space<semaphore_mem>>) src(%dma_wait3A_225 : memref<64x128xf32, #tpu.memory_space<vmem>>) dst(%dma_wait3A_221 : memref<64x128xf32, #tpu.memory_space<vmem_shared>>)
      tpu.yield
    }) : () -> ()
    %add3A_16 = arith.constant 192 : i32
    %add3A_17 = arith.addi %mul3A_7, %add3A_16 : i32
    %run_scoped3A_18 = arith.constant 0 : i32
    "tpu.region"() ({
      %run_scoped3A_201 = tpu.sem_alloc : memref<!tpu.dma_semaphore, #tpu.memory_space<semaphore_mem>>
      %dma_start3A_202 = arith.constant 0 : i32
      %dma_start3A_203 = arith.constant 0 : i32
      %dma_start3A_204 = tpu.memref_slice %arg9[%run_scoped3A_18, %dma_start3A_202, %dma_start3A_203] : memref<4x64x128xf32, #tpu.memory_space<vmem>> -> memref<1x64x128xf32, #tpu.memory_space<vmem>>
      %dma_start3A_205 = tpu.memref_squeeze %dma_start3A_204 : memref<1x64x128xf32, #tpu.memory_space<vmem>> -> memref<64x128xf32, #tpu.memory_space<vmem>>
      %dma_start3A_206 = arith.constant 0 : i32
      %dma_start3A_207 = tpu.memref_slice %arg6[%add3A_17, %dma_start3A_206] : memref<10112x128xf32, #tpu.memory_space<vmem_shared>> -> memref<64x128xf32, #tpu.memory_space<vmem_shared>>
      %dma_start3A_208 = arith.constant 0 : i32
      %dma_start3A_209 = tpu.memref_slice %arg6[%add3A_17, %dma_start3A_208] : memref<10112x128xf32, #tpu.memory_space<vmem_shared>> -> memref<64x128xf32, #tpu.memory_space<vmem_shared>>
      %dma_start3A_210 = arith.constant 0 : i32
      %dma_start3A_211 = arith.constant 0 : i32
      %dma_start3A_212 = tpu.memref_slice %arg9[%run_scoped3A_18, %dma_start3A_210, %dma_start3A_211] : memref<4x64x128xf32, #tpu.memory_space<vmem>> -> memref<1x64x128xf32, #tpu.memory_space<vmem>>
      %dma_start3A_213 = tpu.memref_squeeze %dma_start3A_212 : memref<1x64x128xf32, #tpu.memory_space<vmem>> -> memref<64x128xf32, #tpu.memory_space<vmem>>
      tpu.enqueue_dma source(%dma_start3A_213 : memref<64x128xf32, #tpu.memory_space<vmem>>) target(%dma_start3A_209 : memref<64x128xf32, #tpu.memory_space<vmem_shared>>) target_semaphore(%run_scoped3A_201 : memref<!tpu.dma_semaphore, #tpu.memory_space<semaphore_mem>>)
      %dma_wait3A_214 = arith.constant 0 : i32
      %dma_wait3A_215 = arith.constant 0 : i32
      %dma_wait3A_216 = tpu.memref_slice %arg9[%run_scoped3A_18, %dma_wait3A_214, %dma_wait3A_215] : memref<4x64x128xf32, #tpu.memory_space<vmem>> -> memref<1x64x128xf32, #tpu.memory_space<vmem>>
      %dma_wait3A_217 = tpu.memref_squeeze %dma_wait3A_216 : memref<1x64x128xf32, #tpu.memory_space<vmem>> -> memref<64x128xf32, #tpu.memory_space<vmem>>
      %dma_wait3A_218 = arith.constant 0 : i32
      %dma_wait3A_219 = tpu.memref_slice %arg6[%add3A_17, %dma_wait3A_218] : memref<10112x128xf32, #tpu.memory_space<vmem_shared>> -> memref<64x128xf32, #tpu.memory_space<vmem_shared>>
      %dma_wait3A_220 = arith.constant 0 : i32
      %dma_wait3A_221 = tpu.memref_slice %arg6[%add3A_17, %dma_wait3A_220] : memref<10112x128xf32, #tpu.memory_space<vmem_shared>> -> memref<64x128xf32, #tpu.memory_space<vmem_shared>>
      %dma_wait3A_222 = arith.constant 0 : i32
      %dma_wait3A_223 = arith.constant 0 : i32
      %dma_wait3A_224 = tpu.memref_slice %arg9[%run_scoped3A_18, %dma_wait3A_222, %dma_wait3A_223] : memref<4x64x128xf32, #tpu.memory_space<vmem>> -> memref<1x64x128xf32, #tpu.memory_space<vmem>>
      %dma_wait3A_225 = tpu.memref_squeeze %dma_wait3A_224 : memref<1x64x128xf32, #tpu.memory_space<vmem>> -> memref<64x128xf32, #tpu.memory_space<vmem>>
      tpu.wait_dma2 semaphore(%run_scoped3A_201 : memref<!tpu.dma_semaphore, #tpu.memory_space<semaphore_mem>>) src(%dma_wait3A_225 : memref<64x128xf32, #tpu.memory_space<vmem>>) dst(%dma_wait3A_221 : memref<64x128xf32, #tpu.memory_space<vmem_shared>>)
      tpu.yield
    }) : () -> ()
    %add3A_19 = arith.constant 256 : i32
    %add3A_20 = arith.addi %mul3A_7, %add3A_19 : i32
    %run_scoped3A_21 = arith.constant 0 : i32
    "tpu.region"() ({
      %run_scoped3A_201 = tpu.sem_alloc : memref<!tpu.dma_semaphore, #tpu.memory_space<semaphore_mem>>
      %dma_start3A_202 = arith.constant 0 : i32
      %dma_start3A_203 = arith.constant 0 : i32
      %dma_start3A_204 = tpu.memref_slice %arg9[%run_scoped3A_21, %dma_start3A_202, %dma_start3A_203] : memref<4x64x128xf32, #tpu.memory_space<vmem>> -> memref<1x64x128xf32, #tpu.memory_space<vmem>>
      %dma_start3A_205 = tpu.memref_squeeze %dma_start3A_204 : memref<1x64x128xf32, #tpu.memory_space<vmem>> -> memref<64x128xf32, #tpu.memory_space<vmem>>
      %dma_start3A_206 = arith.constant 0 : i32
      %dma_start3A_207 = tpu.memref_slice %arg6[%add3A_20, %dma_start3A_206] : memref<10112x128xf32, #tpu.memory_space<vmem_shared>> -> memref<64x128xf32, #tpu.memory_space<vmem_shared>>
      %dma_start3A_208 = arith.constant 0 : i32
      %dma_start3A_209 = tpu.memref_slice %arg6[%add3A_20, %dma_start3A_208] : memref<10112x128xf32, #tpu.memory_space<vmem_shared>> -> memref<64x128xf32, #tpu.memory_space<vmem_shared>>
      %dma_start3A_210 = arith.constant 0 : i32
      %dma_start3A_211 = arith.constant 0 : i32
      %dma_start3A_212 = tpu.memref_slice %arg9[%run_scoped3A_21, %dma_start3A_210, %dma_start3A_211] : memref<4x64x128xf32, #tpu.memory_space<vmem>> -> memref<1x64x128xf32, #tpu.memory_space<vmem>>
      %dma_start3A_213 = tpu.memref_squeeze %dma_start3A_212 : memref<1x64x128xf32, #tpu.memory_space<vmem>> -> memref<64x128xf32, #tpu.memory_space<vmem>>
      tpu.enqueue_dma source(%dma_start3A_213 : memref<64x128xf32, #tpu.memory_space<vmem>>) target(%dma_start3A_209 : memref<64x128xf32, #tpu.memory_space<vmem_shared>>) target_semaphore(%run_scoped3A_201 : memref<!tpu.dma_semaphore, #tpu.memory_space<semaphore_mem>>)
      %dma_wait3A_214 = arith.constant 0 : i32
      %dma_wait3A_215 = arith.constant 0 : i32
      %dma_wait3A_216 = tpu.memref_slice %arg9[%run_scoped3A_21, %dma_wait3A_214, %dma_wait3A_215] : memref<4x64x128xf32, #tpu.memory_space<vmem>> -> memref<1x64x128xf32, #tpu.memory_space<vmem>>
      %dma_wait3A_217 = tpu.memref_squeeze %dma_wait3A_216 : memref<1x64x128xf32, #tpu.memory_space<vmem>> -> memref<64x128xf32, #tpu.memory_space<vmem>>
      %dma_wait3A_218 = arith.constant 0 : i32
      %dma_wait3A_219 = tpu.memref_slice %arg6[%add3A_20, %dma_wait3A_218] : memref<10112x128xf32, #tpu.memory_space<vmem_shared>> -> memref<64x128xf32, #tpu.memory_space<vmem_shared>>
      %dma_wait3A_220 = arith.constant 0 : i32
      %dma_wait3A_221 = tpu.memref_slice %arg6[%add3A_20, %dma_wait3A_220] : memref<10112x128xf32, #tpu.memory_space<vmem_shared>> -> memref<64x128xf32, #tpu.memory_space<vmem_shared>>
      %dma_wait3A_222 = arith.constant 0 : i32
      %dma_wait3A_223 = arith.constant 0 : i32
      %dma_wait3A_224 = tpu.memref_slice %arg9[%run_scoped3A_21, %dma_wait3A_222, %dma_wait3A_223] : memref<4x64x128xf32, #tpu.memory_space<vmem>> -> memref<1x64x128xf32, #tpu.memory_space<vmem>>
      %dma_wait3A_225 = tpu.memref_squeeze %dma_wait3A_224 : memref<1x64x128xf32, #tpu.memory_space<vmem>> -> memref<64x128xf32, #tpu.memory_space<vmem>>
      tpu.wait_dma2 semaphore(%run_scoped3A_201 : memref<!tpu.dma_semaphore, #tpu.memory_space<semaphore_mem>>) src(%dma_wait3A_225 : memref<64x128xf32, #tpu.memory_space<vmem>>) dst(%dma_wait3A_221 : memref<64x128xf32, #tpu.memory_space<vmem_shared>>)
      tpu.yield
    }) : () -> ()
    %add3A_22 = arith.constant 320 : i32
    %add3A_23 = arith.addi %mul3A_7, %add3A_22 : i32
    %run_scoped3A_24 = arith.constant 0 : i32
    "tpu.region"() ({
      %run_scoped3A_201 = tpu.sem_alloc : memref<!tpu.dma_semaphore, #tpu.memory_space<semaphore_mem>>
      %dma_start3A_202 = arith.constant 0 : i32
      %dma_start3A_203 = arith.constant 0 : i32
      %dma_start3A_204 = tpu.memref_slice %arg9[%run_scoped3A_24, %dma_start3A_202, %dma_start3A_203] : memref<4x64x128xf32, #tpu.memory_space<vmem>> -> memref<1x64x128xf32, #tpu.memory_space<vmem>>
      %dma_start3A_205 = tpu.memref_squeeze %dma_start3A_204 : memref<1x64x128xf32, #tpu.memory_space<vmem>> -> memref<64x128xf32, #tpu.memory_space<vmem>>
      %dma_start3A_206 = arith.constant 0 : i32
      %dma_start3A_207 = tpu.memref_slice %arg6[%add3A_23, %dma_start3A_206] : memref<10112x128xf32, #tpu.memory_space<vmem_shared>> -> memref<64x128xf32, #tpu.memory_space<vmem_shared>>
      %dma_start3A_208 = arith.constant 0 : i32
      %dma_start3A_209 = tpu.memref_slice %arg6[%add3A_23, %dma_start3A_208] : memref<10112x128xf32, #tpu.memory_space<vmem_shared>> -> memref<64x128xf32, #tpu.memory_space<vmem_shared>>
      %dma_start3A_210 = arith.constant 0 : i32
      %dma_start3A_211 = arith.constant 0 : i32
      %dma_start3A_212 = tpu.memref_slice %arg9[%run_scoped3A_24, %dma_start3A_210, %dma_start3A_211] : memref<4x64x128xf32, #tpu.memory_space<vmem>> -> memref<1x64x128xf32, #tpu.memory_space<vmem>>
      %dma_start3A_213 = tpu.memref_squeeze %dma_start3A_212 : memref<1x64x128xf32, #tpu.memory_space<vmem>> -> memref<64x128xf32, #tpu.memory_space<vmem>>
      tpu.enqueue_dma source(%dma_start3A_213 : memref<64x128xf32, #tpu.memory_space<vmem>>) target(%dma_start3A_209 : memref<64x128xf32, #tpu.memory_space<vmem_shared>>) target_semaphore(%run_scoped3A_201 : memref<!tpu.dma_semaphore, #tpu.memory_space<semaphore_mem>>)
      %dma_wait3A_214 = arith.constant 0 : i32
      %dma_wait3A_215 = arith.constant 0 : i32
      %dma_wait3A_216 = tpu.memref_slice %arg9[%run_scoped3A_24, %dma_wait3A_214, %dma_wait3A_215] : memref<4x64x128xf32, #tpu.memory_space<vmem>> -> memref<1x64x128xf32, #tpu.memory_space<vmem>>
      %dma_wait3A_217 = tpu.memref_squeeze %dma_wait3A_216 : memref<1x64x128xf32, #tpu.memory_space<vmem>> -> memref<64x128xf32, #tpu.memory_space<vmem>>
      %dma_wait3A_218 = arith.constant 0 : i32
      %dma_wait3A_219 = tpu.memref_slice %arg6[%add3A_23, %dma_wait3A_218] : memref<10112x128xf32, #tpu.memory_space<vmem_shared>> -> memref<64x128xf32, #tpu.memory_space<vmem_shared>>
      %dma_wait3A_220 = arith.constant 0 : i32
      %dma_wait3A_221 = tpu.memref_slice %arg6[%add3A_23, %dma_wait3A_220] : memref<10112x128xf32, #tpu.memory_space<vmem_shared>> -> memref<64x128xf32, #tpu.memory_space<vmem_shared>>
      %dma_wait3A_222 = arith.constant 0 : i32
      %dma_wait3A_223 = arith.constant 0 : i32
      %dma_wait3A_224 = tpu.memref_slice %arg9[%run_scoped3A_24, %dma_wait3A_222, %dma_wait3A_223] : memref<4x64x128xf32, #tpu.memory_space<vmem>> -> memref<1x64x128xf32, #tpu.memory_space<vmem>>
      %dma_wait3A_225 = tpu.memref_squeeze %dma_wait3A_224 : memref<1x64x128xf32, #tpu.memory_space<vmem>> -> memref<64x128xf32, #tpu.memory_space<vmem>>
      tpu.wait_dma2 semaphore(%run_scoped3A_201 : memref<!tpu.dma_semaphore, #tpu.memory_space<semaphore_mem>>) src(%dma_wait3A_225 : memref<64x128xf32, #tpu.memory_space<vmem>>) dst(%dma_wait3A_221 : memref<64x128xf32, #tpu.memory_space<vmem_shared>>)
      tpu.yield
    }) : () -> ()
    %add3A_25 = arith.constant 384 : i32
    %add3A_26 = arith.addi %mul3A_7, %add3A_25 : i32
    %run_scoped3A_27 = arith.constant 0 : i32
    "tpu.region"() ({
      %run_scoped3A_201 = tpu.sem_alloc : memref<!tpu.dma_semaphore, #tpu.memory_space<semaphore_mem>>
      %dma_start3A_202 = arith.constant 0 : i32
      %dma_start3A_203 = arith.constant 0 : i32
      %dma_start3A_204 = tpu.memref_slice %arg9[%run_scoped3A_27, %dma_start3A_202, %dma_start3A_203] : memref<4x64x128xf32, #tpu.memory_space<vmem>> -> memref<1x64x128xf32, #tpu.memory_space<vmem>>
      %dma_start3A_205 = tpu.memref_squeeze %dma_start3A_204 : memref<1x64x128xf32, #tpu.memory_space<vmem>> -> memref<64x128xf32, #tpu.memory_space<vmem>>
      %dma_start3A_206 = arith.constant 0 : i32
      %dma_start3A_207 = tpu.memref_slice %arg6[%add3A_26, %dma_start3A_206] : memref<10112x128xf32, #tpu.memory_space<vmem_shared>> -> memref<64x128xf32, #tpu.memory_space<vmem_shared>>
      %dma_start3A_208 = arith.constant 0 : i32
      %dma_start3A_209 = tpu.memref_slice %arg6[%add3A_26, %dma_start3A_208] : memref<10112x128xf32, #tpu.memory_space<vmem_shared>> -> memref<64x128xf32, #tpu.memory_space<vmem_shared>>
      %dma_start3A_210 = arith.constant 0 : i32
      %dma_start3A_211 = arith.constant 0 : i32
      %dma_start3A_212 = tpu.memref_slice %arg9[%run_scoped3A_27, %dma_start3A_210, %dma_start3A_211] : memref<4x64x128xf32, #tpu.memory_space<vmem>> -> memref<1x64x128xf32, #tpu.memory_space<vmem>>
      %dma_start3A_213 = tpu.memref_squeeze %dma_start3A_212 : memref<1x64x128xf32, #tpu.memory_space<vmem>> -> memref<64x128xf32, #tpu.memory_space<vmem>>
      tpu.enqueue_dma source(%dma_start3A_213 : memref<64x128xf32, #tpu.memory_space<vmem>>) target(%dma_start3A_209 : memref<64x128xf32, #tpu.memory_space<vmem_shared>>) target_semaphore(%run_scoped3A_201 : memref<!tpu.dma_semaphore, #tpu.memory_space<semaphore_mem>>)
      %dma_wait3A_214 = arith.constant 0 : i32
      %dma_wait3A_215 = arith.constant 0 : i32
      %dma_wait3A_216 = tpu.memref_slice %arg9[%run_scoped3A_27, %dma_wait3A_214, %dma_wait3A_215] : memref<4x64x128xf32, #tpu.memory_space<vmem>> -> memref<1x64x128xf32, #tpu.memory_space<vmem>>
      %dma_wait3A_217 = tpu.memref_squeeze %dma_wait3A_216 : memref<1x64x128xf32, #tpu.memory_space<vmem>> -> memref<64x128xf32, #tpu.memory_space<vmem>>
      %dma_wait3A_218 = arith.constant 0 : i32
      %dma_wait3A_219 = tpu.memref_slice %arg6[%add3A_26, %dma_wait3A_218] : memref<10112x128xf32, #tpu.memory_space<vmem_shared>> -> memref<64x128xf32, #tpu.memory_space<vmem_shared>>
      %dma_wait3A_220 = arith.constant 0 : i32
      %dma_wait3A_221 = tpu.memref_slice %arg6[%add3A_26, %dma_wait3A_220] : memref<10112x128xf32, #tpu.memory_space<vmem_shared>> -> memref<64x128xf32, #tpu.memory_space<vmem_shared>>
      %dma_wait3A_222 = arith.constant 0 : i32
      %dma_wait3A_223 = arith.constant 0 : i32
      %dma_wait3A_224 = tpu.memref_slice %arg9[%run_scoped3A_27, %dma_wait3A_222, %dma_wait3A_223] : memref<4x64x128xf32, #tpu.memory_space<vmem>> -> memref<1x64x128xf32, #tpu.memory_space<vmem>>
      %dma_wait3A_225 = tpu.memref_squeeze %dma_wait3A_224 : memref<1x64x128xf32, #tpu.memory_space<vmem>> -> memref<64x128xf32, #tpu.memory_space<vmem>>
      tpu.wait_dma2 semaphore(%run_scoped3A_201 : memref<!tpu.dma_semaphore, #tpu.memory_space<semaphore_mem>>) src(%dma_wait3A_225 : memref<64x128xf32, #tpu.memory_space<vmem>>) dst(%dma_wait3A_221 : memref<64x128xf32, #tpu.memory_space<vmem_shared>>)
      tpu.yield
    }) : () -> ()
    %add3A_28 = arith.constant 448 : i32
    %add3A_29 = arith.addi %mul3A_7, %add3A_28 : i32
    %run_scoped3A_30 = arith.constant 0 : i32
    "tpu.region"() ({
      %run_scoped3A_201 = tpu.sem_alloc : memref<!tpu.dma_semaphore, #tpu.memory_space<semaphore_mem>>
      %dma_start3A_202 = arith.constant 0 : i32
      %dma_start3A_203 = arith.constant 0 : i32
      %dma_start3A_204 = tpu.memref_slice %arg9[%run_scoped3A_30, %dma_start3A_202, %dma_start3A_203] : memref<4x64x128xf32, #tpu.memory_space<vmem>> -> memref<1x64x128xf32, #tpu.memory_space<vmem>>
      %dma_start3A_205 = tpu.memref_squeeze %dma_start3A_204 : memref<1x64x128xf32, #tpu.memory_space<vmem>> -> memref<64x128xf32, #tpu.memory_space<vmem>>
      %dma_start3A_206 = arith.constant 0 : i32
      %dma_start3A_207 = tpu.memref_slice %arg6[%add3A_29, %dma_start3A_206] : memref<10112x128xf32, #tpu.memory_space<vmem_shared>> -> memref<64x128xf32, #tpu.memory_space<vmem_shared>>
      %dma_start3A_208 = arith.constant 0 : i32
      %dma_start3A_209 = tpu.memref_slice %arg6[%add3A_29, %dma_start3A_208] : memref<10112x128xf32, #tpu.memory_space<vmem_shared>> -> memref<64x128xf32, #tpu.memory_space<vmem_shared>>
      %dma_start3A_210 = arith.constant 0 : i32
      %dma_start3A_211 = arith.constant 0 : i32
      %dma_start3A_212 = tpu.memref_slice %arg9[%run_scoped3A_30, %dma_start3A_210, %dma_start3A_211] : memref<4x64x128xf32, #tpu.memory_space<vmem>> -> memref<1x64x128xf32, #tpu.memory_space<vmem>>
      %dma_start3A_213 = tpu.memref_squeeze %dma_start3A_212 : memref<1x64x128xf32, #tpu.memory_space<vmem>> -> memref<64x128xf32, #tpu.memory_space<vmem>>
      tpu.enqueue_dma source(%dma_start3A_213 : memref<64x128xf32, #tpu.memory_space<vmem>>) target(%dma_start3A_209 : memref<64x128xf32, #tpu.memory_space<vmem_shared>>) target_semaphore(%run_scoped3A_201 : memref<!tpu.dma_semaphore, #tpu.memory_space<semaphore_mem>>)
      %dma_wait3A_214 = arith.constant 0 : i32
      %dma_wait3A_215 = arith.constant 0 : i32
      %dma_wait3A_216 = tpu.memref_slice %arg9[%run_scoped3A_30, %dma_wait3A_214, %dma_wait3A_215] : memref<4x64x128xf32, #tpu.memory_space<vmem>> -> memref<1x64x128xf32, #tpu.memory_space<vmem>>
      %dma_wait3A_217 = tpu.memref_squeeze %dma_wait3A_216 : memref<1x64x128xf32, #tpu.memory_space<vmem>> -> memref<64x128xf32, #tpu.memory_space<vmem>>
      %dma_wait3A_218 = arith.constant 0 : i32
      %dma_wait3A_219 = tpu.memref_slice %arg6[%add3A_29, %dma_wait3A_218] : memref<10112x128xf32, #tpu.memory_space<vmem_shared>> -> memref<64x128xf32, #tpu.memory_space<vmem_shared>>
      %dma_wait3A_220 = arith.constant 0 : i32
      %dma_wait3A_221 = tpu.memref_slice %arg6[%add3A_29, %dma_wait3A_220] : memref<10112x128xf32, #tpu.memory_space<vmem_shared>> -> memref<64x128xf32, #tpu.memory_space<vmem_shared>>
      %dma_wait3A_222 = arith.constant 0 : i32
      %dma_wait3A_223 = arith.constant 0 : i32
      %dma_wait3A_224 = tpu.memref_slice %arg9[%run_scoped3A_30, %dma_wait3A_222, %dma_wait3A_223] : memref<4x64x128xf32, #tpu.memory_space<vmem>> -> memref<1x64x128xf32, #tpu.memory_space<vmem>>
      %dma_wait3A_225 = tpu.memref_squeeze %dma_wait3A_224 : memref<1x64x128xf32, #tpu.memory_space<vmem>> -> memref<64x128xf32, #tpu.memory_space<vmem>>
      tpu.wait_dma2 semaphore(%run_scoped3A_201 : memref<!tpu.dma_semaphore, #tpu.memory_space<semaphore_mem>>) src(%dma_wait3A_225 : memref<64x128xf32, #tpu.memory_space<vmem>>) dst(%dma_wait3A_221 : memref<64x128xf32, #tpu.memory_space<vmem_shared>>)
      tpu.yield
    }) : () -> ()
    %add3A_31 = arith.constant 512 : i32
    %add3A_32 = arith.addi %mul3A_7, %add3A_31 : i32
    %run_scoped3A_33 = arith.constant 0 : i32
    "tpu.region"() ({
      %run_scoped3A_201 = tpu.sem_alloc : memref<!tpu.dma_semaphore, #tpu.memory_space<semaphore_mem>>
      %dma_start3A_202 = arith.constant 0 : i32
      %dma_start3A_203 = arith.constant 0 : i32
      %dma_start3A_204 = tpu.memref_slice %arg9[%run_scoped3A_33, %dma_start3A_202, %dma_start3A_203] : memref<4x64x128xf32, #tpu.memory_space<vmem>> -> memref<1x64x128xf32, #tpu.memory_space<vmem>>
      %dma_start3A_205 = tpu.memref_squeeze %dma_start3A_204 : memref<1x64x128xf32, #tpu.memory_space<vmem>> -> memref<64x128xf32, #tpu.memory_space<vmem>>
      %dma_start3A_206 = arith.constant 0 : i32
      %dma_start3A_207 = tpu.memref_slice %arg6[%add3A_32, %dma_start3A_206] : memref<10112x128xf32, #tpu.memory_space<vmem_shared>> -> memref<64x128xf32, #tpu.memory_space<vmem_shared>>
      %dma_start3A_208 = arith.constant 0 : i32
      %dma_start3A_209 = tpu.memref_slice %arg6[%add3A_32, %dma_start3A_208] : memref<10112x128xf32, #tpu.memory_space<vmem_shared>> -> memref<64x128xf32, #tpu.memory_space<vmem_shared>>
      %dma_start3A_210 = arith.constant 0 : i32
      %dma_start3A_211 = arith.constant 0 : i32
      %dma_start3A_212 = tpu.memref_slice %arg9[%run_scoped3A_33, %dma_start3A_210, %dma_start3A_211] : memref<4x64x128xf32, #tpu.memory_space<vmem>> -> memref<1x64x128xf32, #tpu.memory_space<vmem>>
      %dma_start3A_213 = tpu.memref_squeeze %dma_start3A_212 : memref<1x64x128xf32, #tpu.memory_space<vmem>> -> memref<64x128xf32, #tpu.memory_space<vmem>>
      tpu.enqueue_dma source(%dma_start3A_213 : memref<64x128xf32, #tpu.memory_space<vmem>>) target(%dma_start3A_209 : memref<64x128xf32, #tpu.memory_space<vmem_shared>>) target_semaphore(%run_scoped3A_201 : memref<!tpu.dma_semaphore, #tpu.memory_space<semaphore_mem>>)
      %dma_wait3A_214 = arith.constant 0 : i32
      %dma_wait3A_215 = arith.constant 0 : i32
      %dma_wait3A_216 = tpu.memref_slice %arg9[%run_scoped3A_33, %dma_wait3A_214, %dma_wait3A_215] : memref<4x64x128xf32, #tpu.memory_space<vmem>> -> memref<1x64x128xf32, #tpu.memory_space<vmem>>
      %dma_wait3A_217 = tpu.memref_squeeze %dma_wait3A_216 : memref<1x64x128xf32, #tpu.memory_space<vmem>> -> memref<64x128xf32, #tpu.memory_space<vmem>>
      %dma_wait3A_218 = arith.constant 0 : i32
      %dma_wait3A_219 = tpu.memref_slice %arg6[%add3A_32, %dma_wait3A_218] : memref<10112x128xf32, #tpu.memory_space<vmem_shared>> -> memref<64x128xf32, #tpu.memory_space<vmem_shared>>
      %dma_wait3A_220 = arith.constant 0 : i32
      %dma_wait3A_221 = tpu.memref_slice %arg6[%add3A_32, %dma_wait3A_220] : memref<10112x128xf32, #tpu.memory_space<vmem_shared>> -> memref<64x128xf32, #tpu.memory_space<vmem_shared>>
      %dma_wait3A_222 = arith.constant 0 : i32
      %dma_wait3A_223 = arith.constant 0 : i32
      %dma_wait3A_224 = tpu.memref_slice %arg9[%run_scoped3A_33, %dma_wait3A_222, %dma_wait3A_223] : memref<4x64x128xf32, #tpu.memory_space<vmem>> -> memref<1x64x128xf32, #tpu.memory_space<vmem>>
      %dma_wait3A_225 = tpu.memref_squeeze %dma_wait3A_224 : memref<1x64x128xf32, #tpu.memory_space<vmem>> -> memref<64x128xf32, #tpu.memory_space<vmem>>
      tpu.wait_dma2 semaphore(%run_scoped3A_201 : memref<!tpu.dma_semaphore, #tpu.memory_space<semaphore_mem>>) src(%dma_wait3A_225 : memref<64x128xf32, #tpu.memory_space<vmem>>) dst(%dma_wait3A_221 : memref<64x128xf32, #tpu.memory_space<vmem_shared>>)
      tpu.yield
    }) : () -> ()
    %add3A_34 = arith.constant 576 : i32
    %add3A_35 = arith.addi %mul3A_7, %add3A_34 : i32
    %run_scoped3A_36 = arith.constant 0 : i32
    "tpu.region"() ({
      %run_scoped3A_201 = tpu.sem_alloc : memref<!tpu.dma_semaphore, #tpu.memory_space<semaphore_mem>>
      %dma_start3A_202 = arith.constant 0 : i32
      %dma_start3A_203 = arith.constant 0 : i32
      %dma_start3A_204 = tpu.memref_slice %arg9[%run_scoped3A_36, %dma_start3A_202, %dma_start3A_203] : memref<4x64x128xf32, #tpu.memory_space<vmem>> -> memref<1x56x128xf32, #tpu.memory_space<vmem>>
      %dma_start3A_205 = tpu.memref_squeeze %dma_start3A_204 : memref<1x56x128xf32, #tpu.memory_space<vmem>> -> memref<56x128xf32, #tpu.memory_space<vmem>>
      %dma_start3A_206 = arith.constant 0 : i32
      %dma_start3A_207 = tpu.memref_slice %arg6[%add3A_35, %dma_start3A_206] : memref<10112x128xf32, #tpu.memory_space<vmem_shared>> -> memref<56x128xf32, #tpu.memory_space<vmem_shared>>
      %dma_start3A_208 = arith.constant 0 : i32
      %dma_start3A_209 = tpu.memref_slice %arg6[%add3A_35, %dma_start3A_208] : memref<10112x128xf32, #tpu.memory_space<vmem_shared>> -> memref<56x128xf32, #tpu.memory_space<vmem_shared>>
      %dma_start3A_210 = arith.constant 0 : i32
      %dma_start3A_211 = arith.constant 0 : i32
      %dma_start3A_212 = tpu.memref_slice %arg9[%run_scoped3A_36, %dma_start3A_210, %dma_start3A_211] : memref<4x64x128xf32, #tpu.memory_space<vmem>> -> memref<1x56x128xf32, #tpu.memory_space<vmem>>
      %dma_start3A_213 = tpu.memref_squeeze %dma_start3A_212 : memref<1x56x128xf32, #tpu.memory_space<vmem>> -> memref<56x128xf32, #tpu.memory_space<vmem>>
      tpu.enqueue_dma source(%dma_start3A_213 : memref<56x128xf32, #tpu.memory_space<vmem>>) target(%dma_start3A_209 : memref<56x128xf32, #tpu.memory_space<vmem_shared>>) target_semaphore(%run_scoped3A_201 : memref<!tpu.dma_semaphore, #tpu.memory_space<semaphore_mem>>)
      %dma_wait3A_214 = arith.constant 0 : i32
      %dma_wait3A_215 = arith.constant 0 : i32
      %dma_wait3A_216 = tpu.memref_slice %arg9[%run_scoped3A_36, %dma_wait3A_214, %dma_wait3A_215] : memref<4x64x128xf32, #tpu.memory_space<vmem>> -> memref<1x56x128xf32, #tpu.memory_space<vmem>>
      %dma_wait3A_217 = tpu.memref_squeeze %dma_wait3A_216 : memref<1x56x128xf32, #tpu.memory_space<vmem>> -> memref<56x128xf32, #tpu.memory_space<vmem>>
      %dma_wait3A_218 = arith.constant 0 : i32
      %dma_wait3A_219 = tpu.memref_slice %arg6[%add3A_35, %dma_wait3A_218] : memref<10112x128xf32, #tpu.memory_space<vmem_shared>> -> memref<56x128xf32, #tpu.memory_space<vmem_shared>>
      %dma_wait3A_220 = arith.constant 0 : i32
      %dma_wait3A_221 = tpu.memref_slice %arg6[%add3A_35, %dma_wait3A_220] : memref<10112x128xf32, #tpu.memory_space<vmem_shared>> -> memref<56x128xf32, #tpu.memory_space<vmem_shared>>
      %dma_wait3A_222 = arith.constant 0 : i32
      %dma_wait3A_223 = arith.constant 0 : i32
      %dma_wait3A_224 = tpu.memref_slice %arg9[%run_scoped3A_36, %dma_wait3A_222, %dma_wait3A_223] : memref<4x64x128xf32, #tpu.memory_space<vmem>> -> memref<1x56x128xf32, #tpu.memory_space<vmem>>
      %dma_wait3A_225 = tpu.memref_squeeze %dma_wait3A_224 : memref<1x56x128xf32, #tpu.memory_space<vmem>> -> memref<56x128xf32, #tpu.memory_space<vmem>>
      tpu.wait_dma2 semaphore(%run_scoped3A_201 : memref<!tpu.dma_semaphore, #tpu.memory_space<semaphore_mem>>) src(%dma_wait3A_225 : memref<56x128xf32, #tpu.memory_space<vmem>>) dst(%dma_wait3A_221 : memref<56x128xf32, #tpu.memory_space<vmem_shared>>)
      tpu.yield
    }) : () -> ()
    %barrier3A = arith.constant 0 : index
    tpu.barrier barrier_id(%barrier3A)
    %dma_start3A = arith.constant 0 : i32
    %dma_start3A_37 = arith.constant 0 : i32
    %dma_start3A_38 = arith.constant 0 : i32
    %dma_start3A_39 = tpu.memref_slice %arg7[%dma_start3A_37, %dma_start3A_38] : memref<4x64xi32, #tpu.memory_space<vmem>> -> memref<1x64xi32, #tpu.memory_space<vmem>>
    %dma_start3A_40 = tpu.memref_squeeze %dma_start3A_39 : memref<1x64xi32, #tpu.memory_space<vmem>> -> memref<64xi32, #tpu.memory_space<vmem>>
    %dma_start3A_41 = arith.constant 0 : i32
    %dma_start3A_42 = tpu.memref_slice %arg3[%add3A, %dma_start3A, %dma_start3A_41] : memref<32x160x64xi32, #tpu.memory_space<hbm>> -> memref<1x1x64xi32, #tpu.memory_space<hbm>>
    %dma_start3A_43 = tpu.memref_squeeze %dma_start3A_42 : memref<1x1x64xi32, #tpu.memory_space<hbm>> -> memref<64xi32, #tpu.memory_space<hbm>>
    %dma_start3A_44 = arith.constant 0 : i32
    %dma_start3A_45 = tpu.memref_slice %arg7[%dma_start3A_37, %dma_start3A_44] : memref<4x64xi32, #tpu.memory_space<vmem>> -> memref<1x64xi32, #tpu.memory_space<vmem>>
    %dma_start3A_46 = tpu.memref_squeeze %dma_start3A_45 : memref<1x64xi32, #tpu.memory_space<vmem>> -> memref<64xi32, #tpu.memory_space<vmem>>
    %dma_start3A_47 = arith.constant 0 : i32
    %dma_start3A_48 = tpu.memref_slice %arg3[%add3A, %dma_start3A, %dma_start3A_47] : memref<32x160x64xi32, #tpu.memory_space<hbm>> -> memref<1x1x64xi32, #tpu.memory_space<hbm>>
    %dma_start3A_49 = tpu.memref_squeeze %dma_start3A_48 : memref<1x1x64xi32, #tpu.memory_space<hbm>> -> memref<64xi32, #tpu.memory_space<hbm>>
    tpu.enqueue_dma source(%dma_start3A_49 : memref<64xi32, #tpu.memory_space<hbm>>) target(%dma_start3A_46 : memref<64xi32, #tpu.memory_space<vmem>>) target_semaphore(%arg10 : memref<!tpu.dma_semaphore, #tpu.memory_space<semaphore_mem>>)
    %dma_start3A_50 = arith.constant 1 : i32
    %dma_start3A_51 = arith.constant 1 : i32
    %dma_start3A_52 = arith.constant 0 : i32
    %dma_start3A_53 = tpu.memref_slice %arg7[%dma_start3A_51, %dma_start3A_52] : memref<4x64xi32, #tpu.memory_space<vmem>> -> memref<1x64xi32, #tpu.memory_space<vmem>>
    %dma_start3A_54 = tpu.memref_squeeze %dma_start3A_53 : memref<1x64xi32, #tpu.memory_space<vmem>> -> memref<64xi32, #tpu.memory_space<vmem>>
    %dma_start3A_55 = arith.constant 0 : i32
    %dma_start3A_56 = tpu.memref_slice %arg3[%add3A, %dma_start3A_50, %dma_start3A_55] : memref<32x160x64xi32, #tpu.memory_space<hbm>> -> memref<1x1x64xi32, #tpu.memory_space<hbm>>
    %dma_start3A_57 = tpu.memref_squeeze %dma_start3A_56 : memref<1x1x64xi32, #tpu.memory_space<hbm>> -> memref<64xi32, #tpu.memory_space<hbm>>
    %dma_start3A_58 = arith.constant 0 : i32
    %dma_start3A_59 = tpu.memref_slice %arg7[%dma_start3A_51, %dma_start3A_58] : memref<4x64xi32, #tpu.memory_space<vmem>> -> memref<1x64xi32, #tpu.memory_space<vmem>>
    %dma_start3A_60 = tpu.memref_squeeze %dma_start3A_59 : memref<1x64xi32, #tpu.memory_space<vmem>> -> memref<64xi32, #tpu.memory_space<vmem>>
    %dma_start3A_61 = arith.constant 0 : i32
    %dma_start3A_62 = tpu.memref_slice %arg3[%add3A, %dma_start3A_50, %dma_start3A_61] : memref<32x160x64xi32, #tpu.memory_space<hbm>> -> memref<1x1x64xi32, #tpu.memory_space<hbm>>
    %dma_start3A_63 = tpu.memref_squeeze %dma_start3A_62 : memref<1x1x64xi32, #tpu.memory_space<hbm>> -> memref<64xi32, #tpu.memory_space<hbm>>
    tpu.enqueue_dma source(%dma_start3A_63 : memref<64xi32, #tpu.memory_space<hbm>>) target(%dma_start3A_60 : memref<64xi32, #tpu.memory_space<vmem>>) target_semaphore(%arg11 : memref<!tpu.dma_semaphore, #tpu.memory_space<semaphore_mem>>)
    %dma_start3A_64 = arith.constant 2 : i32
    %dma_start3A_65 = arith.constant 2 : i32
    %dma_start3A_66 = arith.constant 0 : i32
    %dma_start3A_67 = tpu.memref_slice %arg7[%dma_start3A_65, %dma_start3A_66] : memref<4x64xi32, #tpu.memory_space<vmem>> -> memref<1x64xi32, #tpu.memory_space<vmem>>
    %dma_start3A_68 = tpu.memref_squeeze %dma_start3A_67 : memref<1x64xi32, #tpu.memory_space<vmem>> -> memref<64xi32, #tpu.memory_space<vmem>>
    %dma_start3A_69 = arith.constant 0 : i32
    %dma_start3A_70 = tpu.memref_slice %arg3[%add3A, %dma_start3A_64, %dma_start3A_69] : memref<32x160x64xi32, #tpu.memory_space<hbm>> -> memref<1x1x64xi32, #tpu.memory_space<hbm>>
    %dma_start3A_71 = tpu.memref_squeeze %dma_start3A_70 : memref<1x1x64xi32, #tpu.memory_space<hbm>> -> memref<64xi32, #tpu.memory_space<hbm>>
    %dma_start3A_72 = arith.constant 0 : i32
    %dma_start3A_73 = tpu.memref_slice %arg7[%dma_start3A_65, %dma_start3A_72] : memref<4x64xi32, #tpu.memory_space<vmem>> -> memref<1x64xi32, #tpu.memory_space<vmem>>
    %dma_start3A_74 = tpu.memref_squeeze %dma_start3A_73 : memref<1x64xi32, #tpu.memory_space<vmem>> -> memref<64xi32, #tpu.memory_space<vmem>>
    %dma_start3A_75 = arith.constant 0 : i32
    %dma_start3A_76 = tpu.memref_slice %arg3[%add3A, %dma_start3A_64, %dma_start3A_75] : memref<32x160x64xi32, #tpu.memory_space<hbm>> -> memref<1x1x64xi32, #tpu.memory_space<hbm>>
    %dma_start3A_77 = tpu.memref_squeeze %dma_start3A_76 : memref<1x1x64xi32, #tpu.memory_space<hbm>> -> memref<64xi32, #tpu.memory_space<hbm>>
    tpu.enqueue_dma source(%dma_start3A_77 : memref<64xi32, #tpu.memory_space<hbm>>) target(%dma_start3A_74 : memref<64xi32, #tpu.memory_space<vmem>>) target_semaphore(%arg12 : memref<!tpu.dma_semaphore, #tpu.memory_space<semaphore_mem>>)
    %dma_start3A_78 = arith.constant 3 : i32
    %dma_start3A_79 = arith.constant 3 : i32
    %dma_start3A_80 = arith.constant 0 : i32
    %dma_start3A_81 = tpu.memref_slice %arg7[%dma_start3A_79, %dma_start3A_80] : memref<4x64xi32, #tpu.memory_space<vmem>> -> memref<1x64xi32, #tpu.memory_space<vmem>>
    %dma_start3A_82 = tpu.memref_squeeze %dma_start3A_81 : memref<1x64xi32, #tpu.memory_space<vmem>> -> memref<64xi32, #tpu.memory_space<vmem>>
    %dma_start3A_83 = arith.constant 0 : i32
    %dma_start3A_84 = tpu.memref_slice %arg3[%add3A, %dma_start3A_78, %dma_start3A_83] : memref<32x160x64xi32, #tpu.memory_space<hbm>> -> memref<1x1x64xi32, #tpu.memory_space<hbm>>
    %dma_start3A_85 = tpu.memref_squeeze %dma_start3A_84 : memref<1x1x64xi32, #tpu.memory_space<hbm>> -> memref<64xi32, #tpu.memory_space<hbm>>
    %dma_start3A_86 = arith.constant 0 : i32
    %dma_start3A_87 = tpu.memref_slice %arg7[%dma_start3A_79, %dma_start3A_86] : memref<4x64xi32, #tpu.memory_space<vmem>> -> memref<1x64xi32, #tpu.memory_space<vmem>>
    %dma_start3A_88 = tpu.memref_squeeze %dma_start3A_87 : memref<1x64xi32, #tpu.memory_space<vmem>> -> memref<64xi32, #tpu.memory_space<vmem>>
    %dma_start3A_89 = arith.constant 0 : i32
    %dma_start3A_90 = tpu.memref_slice %arg3[%add3A, %dma_start3A_78, %dma_start3A_89] : memref<32x160x64xi32, #tpu.memory_space<hbm>> -> memref<1x1x64xi32, #tpu.memory_space<hbm>>
    %dma_start3A_91 = tpu.memref_squeeze %dma_start3A_90 : memref<1x1x64xi32, #tpu.memory_space<hbm>> -> memref<64xi32, #tpu.memory_space<hbm>>
    tpu.enqueue_dma source(%dma_start3A_91 : memref<64xi32, #tpu.memory_space<hbm>>) target(%dma_start3A_88 : memref<64xi32, #tpu.memory_space<vmem>>) target_semaphore(%arg13 : memref<!tpu.dma_semaphore, #tpu.memory_space<semaphore_mem>>)
    %dma_start3A_92 = arith.constant 0 : i32
    %dma_start3A_93 = arith.constant 0 : i32
    %dma_start3A_94 = arith.constant 0 : i32
    %dma_start3A_95 = tpu.memref_slice %arg8[%dma_start3A_93, %dma_start3A_94] : memref<4x64xi32, #tpu.memory_space<vmem>> -> memref<1x64xi32, #tpu.memory_space<vmem>>
    %dma_start3A_96 = tpu.memref_squeeze %dma_start3A_95 : memref<1x64xi32, #tpu.memory_space<vmem>> -> memref<64xi32, #tpu.memory_space<vmem>>
    %dma_start3A_97 = arith.constant 0 : i32
    %dma_start3A_98 = tpu.memref_slice %arg4[%add3A, %dma_start3A_92, %dma_start3A_97] : memref<32x160x64xi32, #tpu.memory_space<hbm>> -> memref<1x1x64xi32, #tpu.memory_space<hbm>>
    %dma_start3A_99 = tpu.memref_squeeze %dma_start3A_98 : memref<1x1x64xi32, #tpu.memory_space<hbm>> -> memref<64xi32, #tpu.memory_space<hbm>>
    %dma_start3A_100 = arith.constant 0 : i32
    %dma_start3A_101 = tpu.memref_slice %arg8[%dma_start3A_93, %dma_start3A_100] : memref<4x64xi32, #tpu.memory_space<vmem>> -> memref<1x64xi32, #tpu.memory_space<vmem>>
    %dma_start3A_102 = tpu.memref_squeeze %dma_start3A_101 : memref<1x64xi32, #tpu.memory_space<vmem>> -> memref<64xi32, #tpu.memory_space<vmem>>
    %dma_start3A_103 = arith.constant 0 : i32
    %dma_start3A_104 = tpu.memref_slice %arg4[%add3A, %dma_start3A_92, %dma_start3A_103] : memref<32x160x64xi32, #tpu.memory_space<hbm>> -> memref<1x1x64xi32, #tpu.memory_space<hbm>>
    %dma_start3A_105 = tpu.memref_squeeze %dma_start3A_104 : memref<1x1x64xi32, #tpu.memory_space<hbm>> -> memref<64xi32, #tpu.memory_space<hbm>>
    tpu.enqueue_dma source(%dma_start3A_105 : memref<64xi32, #tpu.memory_space<hbm>>) target(%dma_start3A_102 : memref<64xi32, #tpu.memory_space<vmem>>) target_semaphore(%arg14 : memref<!tpu.dma_semaphore, #tpu.memory_space<semaphore_mem>>)
    %dma_start3A_106 = arith.constant 1 : i32
    %dma_start3A_107 = arith.constant 1 : i32
    %dma_start3A_108 = arith.constant 0 : i32
    %dma_start3A_109 = tpu.memref_slice %arg8[%dma_start3A_107, %dma_start3A_108] : memref<4x64xi32, #tpu.memory_space<vmem>> -> memref<1x64xi32, #tpu.memory_space<vmem>>
    %dma_start3A_110 = tpu.memref_squeeze %dma_start3A_109 : memref<1x64xi32, #tpu.memory_space<vmem>> -> memref<64xi32, #tpu.memory_space<vmem>>
    %dma_start3A_111 = arith.constant 0 : i32
    %dma_start3A_112 = tpu.memref_slice %arg4[%add3A, %dma_start3A_106, %dma_start3A_111] : memref<32x160x64xi32, #tpu.memory_space<hbm>> -> memref<1x1x64xi32, #tpu.memory_space<hbm>>
    %dma_start3A_113 = tpu.memref_squeeze %dma_start3A_112 : memref<1x1x64xi32, #tpu.memory_space<hbm>> -> memref<64xi32, #tpu.memory_space<hbm>>
    %dma_start3A_114 = arith.constant 0 : i32
    %dma_start3A_115 = tpu.memref_slice %arg8[%dma_start3A_107, %dma_start3A_114] : memref<4x64xi32, #tpu.memory_space<vmem>> -> memref<1x64xi32, #tpu.memory_space<vmem>>
    %dma_start3A_116 = tpu.memref_squeeze %dma_start3A_115 : memref<1x64xi32, #tpu.memory_space<vmem>> -> memref<64xi32, #tpu.memory_space<vmem>>
    %dma_start3A_117 = arith.constant 0 : i32
    %dma_start3A_118 = tpu.memref_slice %arg4[%add3A, %dma_start3A_106, %dma_start3A_117] : memref<32x160x64xi32, #tpu.memory_space<hbm>> -> memref<1x1x64xi32, #tpu.memory_space<hbm>>
    %dma_start3A_119 = tpu.memref_squeeze %dma_start3A_118 : memref<1x1x64xi32, #tpu.memory_space<hbm>> -> memref<64xi32, #tpu.memory_space<hbm>>
    tpu.enqueue_dma source(%dma_start3A_119 : memref<64xi32, #tpu.memory_space<hbm>>) target(%dma_start3A_116 : memref<64xi32, #tpu.memory_space<vmem>>) target_semaphore(%arg15 : memref<!tpu.dma_semaphore, #tpu.memory_space<semaphore_mem>>)
    %dma_wait3A = arith.constant 0 : i32
    %dma_wait3A_120 = arith.constant 0 : i32
    %dma_wait3A_121 = arith.constant 0 : i32
    %dma_wait3A_122 = tpu.memref_slice %arg7[%dma_wait3A_120, %dma_wait3A_121] : memref<4x64xi32, #tpu.memory_space<vmem>> -> memref<1x64xi32, #tpu.memory_space<vmem>>
    %dma_wait3A_123 = tpu.memref_squeeze %dma_wait3A_122 : memref<1x64xi32, #tpu.memory_space<vmem>> -> memref<64xi32, #tpu.memory_space<vmem>>
    %dma_wait3A_124 = arith.constant 0 : i32
    %dma_wait3A_125 = tpu.memref_slice %arg3[%add3A, %dma_wait3A, %dma_wait3A_124] : memref<32x160x64xi32, #tpu.memory_space<hbm>> -> memref<1x1x64xi32, #tpu.memory_space<hbm>>
    %dma_wait3A_126 = tpu.memref_squeeze %dma_wait3A_125 : memref<1x1x64xi32, #tpu.memory_space<hbm>> -> memref<64xi32, #tpu.memory_space<hbm>>
    %dma_wait3A_127 = arith.constant 0 : i32
    %dma_wait3A_128 = tpu.memref_slice %arg7[%dma_wait3A_120, %dma_wait3A_127] : memref<4x64xi32, #tpu.memory_space<vmem>> -> memref<1x64xi32, #tpu.memory_space<vmem>>
    %dma_wait3A_129 = tpu.memref_squeeze %dma_wait3A_128 : memref<1x64xi32, #tpu.memory_space<vmem>> -> memref<64xi32, #tpu.memory_space<vmem>>
    %dma_wait3A_130 = arith.constant 0 : i32
    %dma_wait3A_131 = tpu.memref_slice %arg3[%add3A, %dma_wait3A, %dma_wait3A_130] : memref<32x160x64xi32, #tpu.memory_space<hbm>> -> memref<1x1x64xi32, #tpu.memory_space<hbm>>
    %dma_wait3A_132 = tpu.memref_squeeze %dma_wait3A_131 : memref<1x1x64xi32, #tpu.memory_space<hbm>> -> memref<64xi32, #tpu.memory_space<hbm>>
    tpu.wait_dma2 semaphore(%arg10 : memref<!tpu.dma_semaphore, #tpu.memory_space<semaphore_mem>>) src(%dma_wait3A_132 : memref<64xi32, #tpu.memory_space<hbm>>) dst(%dma_wait3A_129 : memref<64xi32, #tpu.memory_space<vmem>>)
    %dma_start3A_133 = arith.constant 0 : i32
    %dma_start3A_134 = arith.constant 0 : i32
    %dma_start3A_135 = arith.constant 0 : i32
    %dma_start3A_136 = arith.constant 0 : i32
    %dma_start3A_137 = tpu.memref_slice %arg9[%dma_start3A_134, %dma_start3A_135, %dma_start3A_136] : memref<4x64x128xf32, #tpu.memory_space<vmem>> -> memref<1x64x128xf32, #tpu.memory_space<vmem>>
    %dma_start3A_138 = tpu.memref_squeeze %dma_start3A_137 : memref<1x64x128xf32, #tpu.memory_space<vmem>> -> memref<64x128xf32, #tpu.memory_space<vmem>>
    %dma_start3A_139 = arith.constant 0 : i32
    %dma_start3A_140 = tpu.memref_slice %arg7[%dma_start3A_133, %dma_start3A_139] : memref<4x64xi32, #tpu.memory_space<vmem>> -> memref<1x64xi32, #tpu.memory_space<vmem>>
    %dma_start3A_141 = tpu.memref_squeeze %dma_start3A_140 : memref<1x64xi32, #tpu.memory_space<vmem>> -> memref<64xi32, #tpu.memory_space<vmem>>
    %dma_start3A_142 = arith.constant 0 : i32
    %dma_start3A_143 = arith.constant 0 : i32
    %dma_start3A_144 = tpu.memref_slice %arg2[%dma_start3A_142, %dma_start3A_143] : memref<10000x128xf32, #tpu.memory_space<hbm>> -> memref<10000x128xf32, #tpu.memory_space<hbm>>
    tpu.enqueue_indirect_dma source(%dma_start3A_144 : memref<10000x128xf32, #tpu.memory_space<hbm>>) target(%dma_start3A_138 : memref<64x128xf32, #tpu.memory_space<vmem>>) offsets(%dma_start3A_141 : memref<64xi32, #tpu.memory_space<vmem>>) semaphore(%arg18 : memref<!tpu.dma_semaphore, #tpu.memory_space<semaphore_mem>>)
    %dma_wait3A_145 = arith.constant 1 : i32
    %dma_wait3A_146 = arith.constant 1 : i32
    %dma_wait3A_147 = arith.constant 0 : i32
    %dma_wait3A_148 = tpu.memref_slice %arg7[%dma_wait3A_146, %dma_wait3A_147] : memref<4x64xi32, #tpu.memory_space<vmem>> -> memref<1x64xi32, #tpu.memory_space<vmem>>
    %dma_wait3A_149 = tpu.memref_squeeze %dma_wait3A_148 : memref<1x64xi32, #tpu.memory_space<vmem>> -> memref<64xi32, #tpu.memory_space<vmem>>
    %dma_wait3A_150 = arith.constant 0 : i32
    %dma_wait3A_151 = tpu.memref_slice %arg3[%add3A, %dma_wait3A_145, %dma_wait3A_150] : memref<32x160x64xi32, #tpu.memory_space<hbm>> -> memref<1x1x64xi32, #tpu.memory_space<hbm>>
    %dma_wait3A_152 = tpu.memref_squeeze %dma_wait3A_151 : memref<1x1x64xi32, #tpu.memory_space<hbm>> -> memref<64xi32, #tpu.memory_space<hbm>>
    %dma_wait3A_153 = arith.constant 0 : i32
    %dma_wait3A_154 = tpu.memref_slice %arg7[%dma_wait3A_146, %dma_wait3A_153] : memref<4x64xi32, #tpu.memory_space<vmem>> -> memref<1x64xi32, #tpu.memory_space<vmem>>
    %dma_wait3A_155 = tpu.memref_squeeze %dma_wait3A_154 : memref<1x64xi32, #tpu.memory_space<vmem>> -> memref<64xi32, #tpu.memory_space<vmem>>
    %dma_wait3A_156 = arith.constant 0 : i32
    %dma_wait3A_157 = tpu.memref_slice %arg3[%add3A, %dma_wait3A_145, %dma_wait3A_156] : memref<32x160x64xi32, #tpu.memory_space<hbm>> -> memref<1x1x64xi32, #tpu.memory_space<hbm>>
    %dma_wait3A_158 = tpu.memref_squeeze %dma_wait3A_157 : memref<1x1x64xi32, #tpu.memory_space<hbm>> -> memref<64xi32, #tpu.memory_space<hbm>>
    tpu.wait_dma2 semaphore(%arg11 : memref<!tpu.dma_semaphore, #tpu.memory_space<semaphore_mem>>) src(%dma_wait3A_158 : memref<64xi32, #tpu.memory_space<hbm>>) dst(%dma_wait3A_155 : memref<64xi32, #tpu.memory_space<vmem>>)
    %dma_start3A_159 = arith.constant 1 : i32
    %dma_start3A_160 = arith.constant 1 : i32
    %dma_start3A_161 = arith.constant 0 : i32
    %dma_start3A_162 = arith.constant 0 : i32
    %dma_start3A_163 = tpu.memref_slice %arg9[%dma_start3A_160, %dma_start3A_161, %dma_start3A_162] : memref<4x64x128xf32, #tpu.memory_space<vmem>> -> memref<1x64x128xf32, #tpu.memory_space<vmem>>
    %dma_start3A_164 = tpu.memref_squeeze %dma_start3A_163 : memref<1x64x128xf32, #tpu.memory_space<vmem>> -> memref<64x128xf32, #tpu.memory_space<vmem>>
    %dma_start3A_165 = arith.constant 0 : i32
    %dma_start3A_166 = tpu.memref_slice %arg7[%dma_start3A_159, %dma_start3A_165] : memref<4x64xi32, #tpu.memory_space<vmem>> -> memref<1x64xi32, #tpu.memory_space<vmem>>
    %dma_start3A_167 = tpu.memref_squeeze %dma_start3A_166 : memref<1x64xi32, #tpu.memory_space<vmem>> -> memref<64xi32, #tpu.memory_space<vmem>>
    %dma_start3A_168 = arith.constant 0 : i32
    %dma_start3A_169 = arith.constant 0 : i32
    %dma_start3A_170 = tpu.memref_slice %arg2[%dma_start3A_168, %dma_start3A_169] : memref<10000x128xf32, #tpu.memory_space<hbm>> -> memref<10000x128xf32, #tpu.memory_space<hbm>>
    tpu.enqueue_indirect_dma source(%dma_start3A_170 : memref<10000x128xf32, #tpu.memory_space<hbm>>) target(%dma_start3A_164 : memref<64x128xf32, #tpu.memory_space<vmem>>) offsets(%dma_start3A_167 : memref<64xi32, #tpu.memory_space<vmem>>) semaphore(%arg19 : memref<!tpu.dma_semaphore, #tpu.memory_space<semaphore_mem>>)
    %scan3A_171 = arith.constant 0 : i32
    %scan3A_172 = arith.constant 40 : i32
    %scan3A_173 = arith.addi %scan3A_171, %scan3A_172 : i32
    %scan3A_174 = arith.constant 1 : i32
    scf.for %scan3A_201 = %scan3A_171 to %scan3A_173 step %scan3A_174  : i32 {
      %mul3A_202 = arith.constant 4 : i32
      %mul3A_203 = arith.muli %scan3A_201, %mul3A_202 : i32
      %add3A_204 = arith.constant 0 : i32
      %add3A_205 = arith.addi %mul3A_203, %add3A_204 : i32
      %dma_wait3A_206 = arith.constant 0 : i32
      %dma_wait3A_207 = arith.constant 0 : i32
      %dma_wait3A_208 = arith.constant 0 : i32
      %dma_wait3A_209 = arith.constant 0 : i32
      %dma_wait3A_210 = tpu.memref_slice %arg9[%dma_wait3A_207, %dma_wait3A_208, %dma_wait3A_209] : memref<4x64x128xf32, #tpu.memory_space<vmem>> -> memref<1x64x128xf32, #tpu.memory_space<vmem>>
      %dma_wait3A_211 = tpu.memref_squeeze %dma_wait3A_210 : memref<1x64x128xf32, #tpu.memory_space<vmem>> -> memref<64x128xf32, #tpu.memory_space<vmem>>
      %dma_wait3A_212 = arith.constant 0 : i32
      %dma_wait3A_213 = tpu.memref_slice %arg7[%dma_wait3A_206, %dma_wait3A_212] : memref<4x64xi32, #tpu.memory_space<vmem>> -> memref<1x64xi32, #tpu.memory_space<vmem>>
      %dma_wait3A_214 = tpu.memref_squeeze %dma_wait3A_213 : memref<1x64xi32, #tpu.memory_space<vmem>> -> memref<64xi32, #tpu.memory_space<vmem>>
      %dma_wait3A_215 = arith.constant 0 : i32
      %dma_wait3A_216 = arith.constant 0 : i32
      %dma_wait3A_217 = tpu.memref_slice %arg2[%dma_wait3A_215, %dma_wait3A_216] : memref<10000x128xf32, #tpu.memory_space<hbm>> -> memref<10000x128xf32, #tpu.memory_space<hbm>>
      tpu.wait_indirect_dma semaphore(%arg18 : memref<!tpu.dma_semaphore, #tpu.memory_space<semaphore_mem>>) src(%dma_wait3A_217 : memref<10000x128xf32, #tpu.memory_space<hbm>>) dst(%dma_wait3A_211 : memref<64x128xf32, #tpu.memory_space<vmem>>)
      %add3A_218 = arith.constant 4 : i32
      %add3A_219 = arith.addi %add3A_205, %add3A_218 : i32
      %lt3A = arith.constant 160 : i32
      %lt3A_220 = arith.cmpi slt, %add3A_219, %lt3A : i32
      %convert_element_type3A = arith.extui %lt3A_220 : i1 to i32
      %cond3A = arith.constant 0 : i32
      %cond3A_221 = arith.cmpi ne, %convert_element_type3A, %cond3A : i32
      scf.if %cond3A_221 {
        %add3A_438 = arith.constant 4 : i32
        %add3A_439 = arith.addi %add3A_205, %add3A_438 : i32
        %dma_start3A_440 = arith.constant 0 : i32
        %dma_start3A_441 = arith.constant 0 : i32
        %dma_start3A_442 = tpu.memref_slice %arg7[%dma_start3A_440, %dma_start3A_441] : memref<4x64xi32, #tpu.memory_space<vmem>> -> memref<1x64xi32, #tpu.memory_space<vmem>>
        %dma_start3A_443 = tpu.memref_squeeze %dma_start3A_442 : memref<1x64xi32, #tpu.memory_space<vmem>> -> memref<64xi32, #tpu.memory_space<vmem>>
        %dma_start3A_444 = arith.constant 0 : i32
        %dma_start3A_445 = tpu.memref_slice %arg3[%add3A, %add3A_439, %dma_start3A_444] : memref<32x160x64xi32, #tpu.memory_space<hbm>> -> memref<1x1x64xi32, #tpu.memory_space<hbm>>
        %dma_start3A_446 = tpu.memref_squeeze %dma_start3A_445 : memref<1x1x64xi32, #tpu.memory_space<hbm>> -> memref<64xi32, #tpu.memory_space<hbm>>
        %dma_start3A_447 = arith.constant 0 : i32
        %dma_start3A_448 = tpu.memref_slice %arg7[%dma_start3A_440, %dma_start3A_447] : memref<4x64xi32, #tpu.memory_space<vmem>> -> memref<1x64xi32, #tpu.memory_space<vmem>>
        %dma_start3A_449 = tpu.memref_squeeze %dma_start3A_448 : memref<1x64xi32, #tpu.memory_space<vmem>> -> memref<64xi32, #tpu.memory_space<vmem>>
        %dma_start3A_450 = arith.constant 0 : i32
        %dma_start3A_451 = tpu.memref_slice %arg3[%add3A, %add3A_439, %dma_start3A_450] : memref<32x160x64xi32, #tpu.memory_space<hbm>> -> memref<1x1x64xi32, #tpu.memory_space<hbm>>
        %dma_start3A_452 = tpu.memref_squeeze %dma_start3A_451 : memref<1x1x64xi32, #tpu.memory_space<hbm>> -> memref<64xi32, #tpu.memory_space<hbm>>
        tpu.enqueue_dma source(%dma_start3A_452 : memref<64xi32, #tpu.memory_space<hbm>>) target(%dma_start3A_449 : memref<64xi32, #tpu.memory_space<vmem>>) target_semaphore(%arg10 : memref<!tpu.dma_semaphore, #tpu.memory_space<semaphore_mem>>)
      } else {
      }
      %dma_wait3A_222 = arith.constant 0 : i32
      %dma_wait3A_223 = arith.constant 0 : i32
      %dma_wait3A_224 = tpu.memref_slice %arg8[%dma_wait3A_222, %dma_wait3A_223] : memref<4x64xi32, #tpu.memory_space<vmem>> -> memref<1x64xi32, #tpu.memory_space<vmem>>
      %dma_wait3A_225 = tpu.memref_squeeze %dma_wait3A_224 : memref<1x64xi32, #tpu.memory_space<vmem>> -> memref<64xi32, #tpu.memory_space<vmem>>
      %dma_wait3A_226 = arith.constant 0 : i32
      %dma_wait3A_227 = tpu.memref_slice %arg4[%add3A, %add3A_205, %dma_wait3A_226] : memref<32x160x64xi32, #tpu.memory_space<hbm>> -> memref<1x1x64xi32, #tpu.memory_space<hbm>>
      %dma_wait3A_228 = tpu.memref_squeeze %dma_wait3A_227 : memref<1x1x64xi32, #tpu.memory_space<hbm>> -> memref<64xi32, #tpu.memory_space<hbm>>
      %dma_wait3A_229 = arith.constant 0 : i32
      %dma_wait3A_230 = tpu.memref_slice %arg8[%dma_wait3A_222, %dma_wait3A_229] : memref<4x64xi32, #tpu.memory_space<vmem>> -> memref<1x64xi32, #tpu.memory_space<vmem>>
      %dma_wait3A_231 = tpu.memref_squeeze %dma_wait3A_230 : memref<1x64xi32, #tpu.memory_space<vmem>> -> memref<64xi32, #tpu.memory_space<vmem>>
      %dma_wait3A_232 = arith.constant 0 : i32
      %dma_wait3A_233 = tpu.memref_slice %arg4[%add3A, %add3A_205, %dma_wait3A_232] : memref<32x160x64xi32, #tpu.memory_space<hbm>> -> memref<1x1x64xi32, #tpu.memory_space<hbm>>
      %dma_wait3A_234 = tpu.memref_squeeze %dma_wait3A_233 : memref<1x1x64xi32, #tpu.memory_space<hbm>> -> memref<64xi32, #tpu.memory_space<hbm>>
      tpu.wait_dma2 semaphore(%arg14 : memref<!tpu.dma_semaphore, #tpu.memory_space<semaphore_mem>>) src(%dma_wait3A_234 : memref<64xi32, #tpu.memory_space<hbm>>) dst(%dma_wait3A_231 : memref<64xi32, #tpu.memory_space<vmem>>)
      %dma_start3A_235 = arith.constant 0 : i32
      %dma_start3A_236 = arith.constant 0 : i32
      %dma_start3A_237 = arith.constant 0 : i32
      %dma_start3A_238 = arith.constant 0 : i32
      %dma_start3A_239 = tpu.memref_slice %arg9[%dma_start3A_235, %dma_start3A_237, %dma_start3A_238] : memref<4x64x128xf32, #tpu.memory_space<vmem>> -> memref<1x64x128xf32, #tpu.memory_space<vmem>>
      %dma_start3A_240 = tpu.memref_squeeze %dma_start3A_239 : memref<1x64x128xf32, #tpu.memory_space<vmem>> -> memref<64x128xf32, #tpu.memory_space<vmem>>
      %dma_start3A_241 = arith.constant 0 : i32
      %dma_start3A_242 = tpu.memref_slice %arg8[%dma_start3A_236, %dma_start3A_241] : memref<4x64xi32, #tpu.memory_space<vmem>> -> memref<1x64xi32, #tpu.memory_space<vmem>>
      %dma_start3A_243 = tpu.memref_squeeze %dma_start3A_242 : memref<1x64xi32, #tpu.memory_space<vmem>> -> memref<64xi32, #tpu.memory_space<vmem>>
      %dma_start3A_244 = arith.constant 0 : i32
      %dma_start3A_245 = arith.constant 0 : i32
      %dma_start3A_246 = tpu.memref_slice %arg6[%dma_start3A_244, %dma_start3A_245] : memref<10112x128xf32, #tpu.memory_space<vmem_shared>> -> memref<10112x128xf32, #tpu.memory_space<vmem_shared>>
      tpu.enqueue_indirect_dma source(%dma_start3A_240 : memref<64x128xf32, #tpu.memory_space<vmem>>) target(%dma_start3A_246 : memref<10112x128xf32, #tpu.memory_space<vmem_shared>>) offsets(%dma_start3A_243 : memref<64xi32, #tpu.memory_space<vmem>>) semaphore(%arg22 : memref<!tpu.dma_semaphore, #tpu.memory_space<semaphore_mem>>) {add = true}
      %ge3A = arith.constant 2 : i32
      %ge3A_247 = arith.cmpi sge, %add3A_205, %ge3A : i32
      %convert_element_type3A_248 = arith.extui %ge3A_247 : i1 to i32
      %cond3A_249 = arith.constant 0 : i32
      %cond3A_250 = arith.cmpi ne, %convert_element_type3A_248, %cond3A_249 : i32
      scf.if %cond3A_250 {
        %dma_wait3A_438 = arith.constant 2 : i32
        %dma_wait3A_439 = arith.constant 2 : i32
        %dma_wait3A_440 = arith.constant 0 : i32
        %dma_wait3A_441 = arith.constant 0 : i32
        %dma_wait3A_442 = tpu.memref_slice %arg9[%dma_wait3A_438, %dma_wait3A_440, %dma_wait3A_441] : memref<4x64x128xf32, #tpu.memory_space<vmem>> -> memref<1x64x128xf32, #tpu.memory_space<vmem>>
        %dma_wait3A_443 = tpu.memref_squeeze %dma_wait3A_442 : memref<1x64x128xf32, #tpu.memory_space<vmem>> -> memref<64x128xf32, #tpu.memory_space<vmem>>
        %dma_wait3A_444 = arith.constant 0 : i32
        %dma_wait3A_445 = tpu.memref_slice %arg8[%dma_wait3A_439, %dma_wait3A_444] : memref<4x64xi32, #tpu.memory_space<vmem>> -> memref<1x64xi32, #tpu.memory_space<vmem>>
        %dma_wait3A_446 = tpu.memref_squeeze %dma_wait3A_445 : memref<1x64xi32, #tpu.memory_space<vmem>> -> memref<64xi32, #tpu.memory_space<vmem>>
        %dma_wait3A_447 = arith.constant 0 : i32
        %dma_wait3A_448 = arith.constant 0 : i32
        %dma_wait3A_449 = tpu.memref_slice %arg6[%dma_wait3A_447, %dma_wait3A_448] : memref<10112x128xf32, #tpu.memory_space<vmem_shared>> -> memref<10112x128xf32, #tpu.memory_space<vmem_shared>>
        tpu.wait_indirect_dma semaphore(%arg24 : memref<!tpu.dma_semaphore, #tpu.memory_space<semaphore_mem>>) src(%dma_wait3A_443 : memref<64x128xf32, #tpu.memory_space<vmem>>) dst(%dma_wait3A_449 : memref<10112x128xf32, #tpu.memory_space<vmem_shared>>)
      } else {
      }
      %add3A_251 = arith.constant 2 : i32
      %add3A_252 = arith.addi %add3A_205, %add3A_251 : i32
      %lt3A_253 = arith.constant 160 : i32
      %lt3A_254 = arith.cmpi slt, %add3A_252, %lt3A_253 : i32
      %convert_element_type3A_255 = arith.extui %lt3A_254 : i1 to i32
      %cond3A_256 = arith.constant 0 : i32
      %cond3A_257 = arith.cmpi ne, %convert_element_type3A_255, %cond3A_256 : i32
      scf.if %cond3A_257 {
        %add3A_438 = arith.constant 2 : i32
        %add3A_439 = arith.addi %add3A_205, %add3A_438 : i32
        %dma_start3A_440 = arith.constant 2 : i32
        %dma_start3A_441 = arith.constant 0 : i32
        %dma_start3A_442 = tpu.memref_slice %arg8[%dma_start3A_440, %dma_start3A_441] : memref<4x64xi32, #tpu.memory_space<vmem>> -> memref<1x64xi32, #tpu.memory_space<vmem>>
        %dma_start3A_443 = tpu.memref_squeeze %dma_start3A_442 : memref<1x64xi32, #tpu.memory_space<vmem>> -> memref<64xi32, #tpu.memory_space<vmem>>
        %dma_start3A_444 = arith.constant 0 : i32
        %dma_start3A_445 = tpu.memref_slice %arg4[%add3A, %add3A_439, %dma_start3A_444] : memref<32x160x64xi32, #tpu.memory_space<hbm>> -> memref<1x1x64xi32, #tpu.memory_space<hbm>>
        %dma_start3A_446 = tpu.memref_squeeze %dma_start3A_445 : memref<1x1x64xi32, #tpu.memory_space<hbm>> -> memref<64xi32, #tpu.memory_space<hbm>>
        %dma_start3A_447 = arith.constant 0 : i32
        %dma_start3A_448 = tpu.memref_slice %arg8[%dma_start3A_440, %dma_start3A_447] : memref<4x64xi32, #tpu.memory_space<vmem>> -> memref<1x64xi32, #tpu.memory_space<vmem>>
        %dma_start3A_449 = tpu.memref_squeeze %dma_start3A_448 : memref<1x64xi32, #tpu.memory_space<vmem>> -> memref<64xi32, #tpu.memory_space<vmem>>
        %dma_start3A_450 = arith.constant 0 : i32
        %dma_start3A_451 = tpu.memref_slice %arg4[%add3A, %add3A_439, %dma_start3A_450] : memref<32x160x64xi32, #tpu.memory_space<hbm>> -> memref<1x1x64xi32, #tpu.memory_space<hbm>>
        %dma_start3A_452 = tpu.memref_squeeze %dma_start3A_451 : memref<1x1x64xi32, #tpu.memory_space<hbm>> -> memref<64xi32, #tpu.memory_space<hbm>>
        tpu.enqueue_dma source(%dma_start3A_452 : memref<64xi32, #tpu.memory_space<hbm>>) target(%dma_start3A_449 : memref<64xi32, #tpu.memory_space<vmem>>) target_semaphore(%arg16 : memref<!tpu.dma_semaphore, #tpu.memory_space<semaphore_mem>>)
        %add3A_453 = arith.constant 2 : i32
        %add3A_454 = arith.addi %add3A_205, %add3A_453 : i32
        %dma_wait3A_455 = arith.constant 2 : i32
        %dma_wait3A_456 = arith.constant 0 : i32
        %dma_wait3A_457 = tpu.memref_slice %arg7[%dma_wait3A_455, %dma_wait3A_456] : memref<4x64xi32, #tpu.memory_space<vmem>> -> memref<1x64xi32, #tpu.memory_space<vmem>>
        %dma_wait3A_458 = tpu.memref_squeeze %dma_wait3A_457 : memref<1x64xi32, #tpu.memory_space<vmem>> -> memref<64xi32, #tpu.memory_space<vmem>>
        %dma_wait3A_459 = arith.constant 0 : i32
        %dma_wait3A_460 = tpu.memref_slice %arg3[%add3A, %add3A_454, %dma_wait3A_459] : memref<32x160x64xi32, #tpu.memory_space<hbm>> -> memref<1x1x64xi32, #tpu.memory_space<hbm>>
        %dma_wait3A_461 = tpu.memref_squeeze %dma_wait3A_460 : memref<1x1x64xi32, #tpu.memory_space<hbm>> -> memref<64xi32, #tpu.memory_space<hbm>>
        %dma_wait3A_462 = arith.constant 0 : i32
        %dma_wait3A_463 = tpu.memref_slice %arg7[%dma_wait3A_455, %dma_wait3A_462] : memref<4x64xi32, #tpu.memory_space<vmem>> -> memref<1x64xi32, #tpu.memory_space<vmem>>
        %dma_wait3A_464 = tpu.memref_squeeze %dma_wait3A_463 : memref<1x64xi32, #tpu.memory_space<vmem>> -> memref<64xi32, #tpu.memory_space<vmem>>
        %dma_wait3A_465 = arith.constant 0 : i32
        %dma_wait3A_466 = tpu.memref_slice %arg3[%add3A, %add3A_454, %dma_wait3A_465] : memref<32x160x64xi32, #tpu.memory_space<hbm>> -> memref<1x1x64xi32, #tpu.memory_space<hbm>>
        %dma_wait3A_467 = tpu.memref_squeeze %dma_wait3A_466 : memref<1x1x64xi32, #tpu.memory_space<hbm>> -> memref<64xi32, #tpu.memory_space<hbm>>
        tpu.wait_dma2 semaphore(%arg12 : memref<!tpu.dma_semaphore, #tpu.memory_space<semaphore_mem>>) src(%dma_wait3A_467 : memref<64xi32, #tpu.memory_space<hbm>>) dst(%dma_wait3A_464 : memref<64xi32, #tpu.memory_space<vmem>>)
        %dma_start3A_468 = arith.constant 2 : i32
        %dma_start3A_469 = arith.constant 2 : i32
        %dma_start3A_470 = arith.constant 0 : i32
        %dma_start3A_471 = arith.constant 0 : i32
        %dma_start3A_472 = tpu.memref_slice %arg9[%dma_start3A_469, %dma_start3A_470, %dma_start3A_471] : memref<4x64x128xf32, #tpu.memory_space<vmem>> -> memref<1x64x128xf32, #tpu.memory_space<vmem>>
        %dma_start3A_473 = tpu.memref_squeeze %dma_start3A_472 : memref<1x64x128xf32, #tpu.memory_space<vmem>> -> memref<64x128xf32, #tpu.memory_space<vmem>>
        %dma_start3A_474 = arith.constant 0 : i32
        %dma_start3A_475 = tpu.memref_slice %arg7[%dma_start3A_468, %dma_start3A_474] : memref<4x64xi32, #tpu.memory_space<vmem>> -> memref<1x64xi32, #tpu.memory_space<vmem>>
        %dma_start3A_476 = tpu.memref_squeeze %dma_start3A_475 : memref<1x64xi32, #tpu.memory_space<vmem>> -> memref<64xi32, #tpu.memory_space<vmem>>
        %dma_start3A_477 = arith.constant 0 : i32
        %dma_start3A_478 = arith.constant 0 : i32
        %dma_start3A_479 = tpu.memref_slice %arg2[%dma_start3A_477, %dma_start3A_478] : memref<10000x128xf32, #tpu.memory_space<hbm>> -> memref<10000x128xf32, #tpu.memory_space<hbm>>
        tpu.enqueue_indirect_dma source(%dma_start3A_479 : memref<10000x128xf32, #tpu.memory_space<hbm>>) target(%dma_start3A_473 : memref<64x128xf32, #tpu.memory_space<vmem>>) offsets(%dma_start3A_476 : memref<64xi32, #tpu.memory_space<vmem>>) semaphore(%arg20 : memref<!tpu.dma_semaphore, #tpu.memory_space<semaphore_mem>>)
      } else {
      }
      %mul3A_258 = arith.constant 4 : i32
      %mul3A_259 = arith.muli %scan3A_201, %mul3A_258 : i32
      %add3A_260 = arith.constant 1 : i32
      %add3A_261 = arith.addi %mul3A_259, %add3A_260 : i32
      %dma_wait3A_262 = arith.constant 1 : i32
      %dma_wait3A_263 = arith.constant 1 : i32
      %dma_wait3A_264 = arith.constant 0 : i32
      %dma_wait3A_265 = arith.constant 0 : i32
      %dma_wait3A_266 = tpu.memref_slice %arg9[%dma_wait3A_263, %dma_wait3A_264, %dma_wait3A_265] : memref<4x64x128xf32, #tpu.memory_space<vmem>> -> memref<1x64x128xf32, #tpu.memory_space<vmem>>
      %dma_wait3A_267 = tpu.memref_squeeze %dma_wait3A_266 : memref<1x64x128xf32, #tpu.memory_space<vmem>> -> memref<64x128xf32, #tpu.memory_space<vmem>>
      %dma_wait3A_268 = arith.constant 0 : i32
      %dma_wait3A_269 = tpu.memref_slice %arg7[%dma_wait3A_262, %dma_wait3A_268] : memref<4x64xi32, #tpu.memory_space<vmem>> -> memref<1x64xi32, #tpu.memory_space<vmem>>
      %dma_wait3A_270 = tpu.memref_squeeze %dma_wait3A_269 : memref<1x64xi32, #tpu.memory_space<vmem>> -> memref<64xi32, #tpu.memory_space<vmem>>
      %dma_wait3A_271 = arith.constant 0 : i32
      %dma_wait3A_272 = arith.constant 0 : i32
      %dma_wait3A_273 = tpu.memref_slice %arg2[%dma_wait3A_271, %dma_wait3A_272] : memref<10000x128xf32, #tpu.memory_space<hbm>> -> memref<10000x128xf32, #tpu.memory_space<hbm>>
      tpu.wait_indirect_dma semaphore(%arg19 : memref<!tpu.dma_semaphore, #tpu.memory_space<semaphore_mem>>) src(%dma_wait3A_273 : memref<10000x128xf32, #tpu.memory_space<hbm>>) dst(%dma_wait3A_267 : memref<64x128xf32, #tpu.memory_space<vmem>>)
      %add3A_274 = arith.constant 4 : i32
      %add3A_275 = arith.addi %add3A_261, %add3A_274 : i32
      %lt3A_276 = arith.constant 160 : i32
      %lt3A_277 = arith.cmpi slt, %add3A_275, %lt3A_276 : i32
      %convert_element_type3A_278 = arith.extui %lt3A_277 : i1 to i32
      %cond3A_279 = arith.constant 0 : i32
      %cond3A_280 = arith.cmpi ne, %convert_element_type3A_278, %cond3A_279 : i32
      scf.if %cond3A_280 {
        %add3A_438 = arith.constant 4 : i32
        %add3A_439 = arith.addi %add3A_261, %add3A_438 : i32
        %dma_start3A_440 = arith.constant 1 : i32
        %dma_start3A_441 = arith.constant 0 : i32
        %dma_start3A_442 = tpu.memref_slice %arg7[%dma_start3A_440, %dma_start3A_441] : memref<4x64xi32, #tpu.memory_space<vmem>> -> memref<1x64xi32, #tpu.memory_space<vmem>>
        %dma_start3A_443 = tpu.memref_squeeze %dma_start3A_442 : memref<1x64xi32, #tpu.memory_space<vmem>> -> memref<64xi32, #tpu.memory_space<vmem>>
        %dma_start3A_444 = arith.constant 0 : i32
        %dma_start3A_445 = tpu.memref_slice %arg3[%add3A, %add3A_439, %dma_start3A_444] : memref<32x160x64xi32, #tpu.memory_space<hbm>> -> memref<1x1x64xi32, #tpu.memory_space<hbm>>
        %dma_start3A_446 = tpu.memref_squeeze %dma_start3A_445 : memref<1x1x64xi32, #tpu.memory_space<hbm>> -> memref<64xi32, #tpu.memory_space<hbm>>
        %dma_start3A_447 = arith.constant 0 : i32
        %dma_start3A_448 = tpu.memref_slice %arg7[%dma_start3A_440, %dma_start3A_447] : memref<4x64xi32, #tpu.memory_space<vmem>> -> memref<1x64xi32, #tpu.memory_space<vmem>>
        %dma_start3A_449 = tpu.memref_squeeze %dma_start3A_448 : memref<1x64xi32, #tpu.memory_space<vmem>> -> memref<64xi32, #tpu.memory_space<vmem>>
        %dma_start3A_450 = arith.constant 0 : i32
        %dma_start3A_451 = tpu.memref_slice %arg3[%add3A, %add3A_439, %dma_start3A_450] : memref<32x160x64xi32, #tpu.memory_space<hbm>> -> memref<1x1x64xi32, #tpu.memory_space<hbm>>
        %dma_start3A_452 = tpu.memref_squeeze %dma_start3A_451 : memref<1x1x64xi32, #tpu.memory_space<hbm>> -> memref<64xi32, #tpu.memory_space<hbm>>
        tpu.enqueue_dma source(%dma_start3A_452 : memref<64xi32, #tpu.memory_space<hbm>>) target(%dma_start3A_449 : memref<64xi32, #tpu.memory_space<vmem>>) target_semaphore(%arg11 : memref<!tpu.dma_semaphore, #tpu.memory_space<semaphore_mem>>)
      } else {
      }
      %dma_wait3A_281 = arith.constant 1 : i32
      %dma_wait3A_282 = arith.constant 0 : i32
      %dma_wait3A_283 = tpu.memref_slice %arg8[%dma_wait3A_281, %dma_wait3A_282] : memref<4x64xi32, #tpu.memory_space<vmem>> -> memref<1x64xi32, #tpu.memory_space<vmem>>
      %dma_wait3A_284 = tpu.memref_squeeze %dma_wait3A_283 : memref<1x64xi32, #tpu.memory_space<vmem>> -> memref<64xi32, #tpu.memory_space<vmem>>
      %dma_wait3A_285 = arith.constant 0 : i32
      %dma_wait3A_286 = tpu.memref_slice %arg4[%add3A, %add3A_261, %dma_wait3A_285] : memref<32x160x64xi32, #tpu.memory_space<hbm>> -> memref<1x1x64xi32, #tpu.memory_space<hbm>>
      %dma_wait3A_287 = tpu.memref_squeeze %dma_wait3A_286 : memref<1x1x64xi32, #tpu.memory_space<hbm>> -> memref<64xi32, #tpu.memory_space<hbm>>
      %dma_wait3A_288 = arith.constant 0 : i32
      %dma_wait3A_289 = tpu.memref_slice %arg8[%dma_wait3A_281, %dma_wait3A_288] : memref<4x64xi32, #tpu.memory_space<vmem>> -> memref<1x64xi32, #tpu.memory_space<vmem>>
      %dma_wait3A_290 = tpu.memref_squeeze %dma_wait3A_289 : memref<1x64xi32, #tpu.memory_space<vmem>> -> memref<64xi32, #tpu.memory_space<vmem>>
      %dma_wait3A_291 = arith.constant 0 : i32
      %dma_wait3A_292 = tpu.memref_slice %arg4[%add3A, %add3A_261, %dma_wait3A_291] : memref<32x160x64xi32, #tpu.memory_space<hbm>> -> memref<1x1x64xi32, #tpu.memory_space<hbm>>
      %dma_wait3A_293 = tpu.memref_squeeze %dma_wait3A_292 : memref<1x1x64xi32, #tpu.memory_space<hbm>> -> memref<64xi32, #tpu.memory_space<hbm>>
      tpu.wait_dma2 semaphore(%arg15 : memref<!tpu.dma_semaphore, #tpu.memory_space<semaphore_mem>>) src(%dma_wait3A_293 : memref<64xi32, #tpu.memory_space<hbm>>) dst(%dma_wait3A_290 : memref<64xi32, #tpu.memory_space<vmem>>)
      %dma_start3A_294 = arith.constant 1 : i32
      %dma_start3A_295 = arith.constant 1 : i32
      %dma_start3A_296 = arith.constant 0 : i32
      %dma_start3A_297 = arith.constant 0 : i32
      %dma_start3A_298 = tpu.memref_slice %arg9[%dma_start3A_294, %dma_start3A_296, %dma_start3A_297] : memref<4x64x128xf32, #tpu.memory_space<vmem>> -> memref<1x64x128xf32, #tpu.memory_space<vmem>>
      %dma_start3A_299 = tpu.memref_squeeze %dma_start3A_298 : memref<1x64x128xf32, #tpu.memory_space<vmem>> -> memref<64x128xf32, #tpu.memory_space<vmem>>
      %dma_start3A_300 = arith.constant 0 : i32
      %dma_start3A_301 = tpu.memref_slice %arg8[%dma_start3A_295, %dma_start3A_300] : memref<4x64xi32, #tpu.memory_space<vmem>> -> memref<1x64xi32, #tpu.memory_space<vmem>>
      %dma_start3A_302 = tpu.memref_squeeze %dma_start3A_301 : memref<1x64xi32, #tpu.memory_space<vmem>> -> memref<64xi32, #tpu.memory_space<vmem>>
      %dma_start3A_303 = arith.constant 0 : i32
      %dma_start3A_304 = arith.constant 0 : i32
      %dma_start3A_305 = tpu.memref_slice %arg6[%dma_start3A_303, %dma_start3A_304] : memref<10112x128xf32, #tpu.memory_space<vmem_shared>> -> memref<10112x128xf32, #tpu.memory_space<vmem_shared>>
      tpu.enqueue_indirect_dma source(%dma_start3A_299 : memref<64x128xf32, #tpu.memory_space<vmem>>) target(%dma_start3A_305 : memref<10112x128xf32, #tpu.memory_space<vmem_shared>>) offsets(%dma_start3A_302 : memref<64xi32, #tpu.memory_space<vmem>>) semaphore(%arg23 : memref<!tpu.dma_semaphore, #tpu.memory_space<semaphore_mem>>) {add = true}
      %ge3A_306 = arith.constant 2 : i32
      %ge3A_307 = arith.cmpi sge, %add3A_261, %ge3A_306 : i32
      %convert_element_type3A_308 = arith.extui %ge3A_307 : i1 to i32
      %cond3A_309 = arith.constant 0 : i32
      %cond3A_310 = arith.cmpi ne, %convert_element_type3A_308, %cond3A_309 : i32
      scf.if %cond3A_310 {
        %dma_wait3A_438 = arith.constant 3 : i32
        %dma_wait3A_439 = arith.constant 3 : i32
        %dma_wait3A_440 = arith.constant 0 : i32
        %dma_wait3A_441 = arith.constant 0 : i32
        %dma_wait3A_442 = tpu.memref_slice %arg9[%dma_wait3A_438, %dma_wait3A_440, %dma_wait3A_441] : memref<4x64x128xf32, #tpu.memory_space<vmem>> -> memref<1x64x128xf32, #tpu.memory_space<vmem>>
        %dma_wait3A_443 = tpu.memref_squeeze %dma_wait3A_442 : memref<1x64x128xf32, #tpu.memory_space<vmem>> -> memref<64x128xf32, #tpu.memory_space<vmem>>
        %dma_wait3A_444 = arith.constant 0 : i32
        %dma_wait3A_445 = tpu.memref_slice %arg8[%dma_wait3A_439, %dma_wait3A_444] : memref<4x64xi32, #tpu.memory_space<vmem>> -> memref<1x64xi32, #tpu.memory_space<vmem>>
        %dma_wait3A_446 = tpu.memref_squeeze %dma_wait3A_445 : memref<1x64xi32, #tpu.memory_space<vmem>> -> memref<64xi32, #tpu.memory_space<vmem>>
        %dma_wait3A_447 = arith.constant 0 : i32
        %dma_wait3A_448 = arith.constant 0 : i32
        %dma_wait3A_449 = tpu.memref_slice %arg6[%dma_wait3A_447, %dma_wait3A_448] : memref<10112x128xf32, #tpu.memory_space<vmem_shared>> -> memref<10112x128xf32, #tpu.memory_space<vmem_shared>>
        tpu.wait_indirect_dma semaphore(%arg25 : memref<!tpu.dma_semaphore, #tpu.memory_space<semaphore_mem>>) src(%dma_wait3A_443 : memref<64x128xf32, #tpu.memory_space<vmem>>) dst(%dma_wait3A_449 : memref<10112x128xf32, #tpu.memory_space<vmem_shared>>)
      } else {
      }
      %add3A_311 = arith.constant 2 : i32
      %add3A_312 = arith.addi %add3A_261, %add3A_311 : i32
      %lt3A_313 = arith.constant 160 : i32
      %lt3A_314 = arith.cmpi slt, %add3A_312, %lt3A_313 : i32
      %convert_element_type3A_315 = arith.extui %lt3A_314 : i1 to i32
      %cond3A_316 = arith.constant 0 : i32
      %cond3A_317 = arith.cmpi ne, %convert_element_type3A_315, %cond3A_316 : i32
      scf.if %cond3A_317 {
        %add3A_438 = arith.constant 2 : i32
        %add3A_439 = arith.addi %add3A_261, %add3A_438 : i32
        %dma_start3A_440 = arith.constant 3 : i32
        %dma_start3A_441 = arith.constant 0 : i32
        %dma_start3A_442 = tpu.memref_slice %arg8[%dma_start3A_440, %dma_start3A_441] : memref<4x64xi32, #tpu.memory_space<vmem>> -> memref<1x64xi32, #tpu.memory_space<vmem>>
        %dma_start3A_443 = tpu.memref_squeeze %dma_start3A_442 : memref<1x64xi32, #tpu.memory_space<vmem>> -> memref<64xi32, #tpu.memory_space<vmem>>
        %dma_start3A_444 = arith.constant 0 : i32
        %dma_start3A_445 = tpu.memref_slice %arg4[%add3A, %add3A_439, %dma_start3A_444] : memref<32x160x64xi32, #tpu.memory_space<hbm>> -> memref<1x1x64xi32, #tpu.memory_space<hbm>>
        %dma_start3A_446 = tpu.memref_squeeze %dma_start3A_445 : memref<1x1x64xi32, #tpu.memory_space<hbm>> -> memref<64xi32, #tpu.memory_space<hbm>>
        %dma_start3A_447 = arith.constant 0 : i32
        %dma_start3A_448 = tpu.memref_slice %arg8[%dma_start3A_440, %dma_start3A_447] : memref<4x64xi32, #tpu.memory_space<vmem>> -> memref<1x64xi32, #tpu.memory_space<vmem>>
        %dma_start3A_449 = tpu.memref_squeeze %dma_start3A_448 : memref<1x64xi32, #tpu.memory_space<vmem>> -> memref<64xi32, #tpu.memory_space<vmem>>
        %dma_start3A_450 = arith.constant 0 : i32
        %dma_start3A_451 = tpu.memref_slice %arg4[%add3A, %add3A_439, %dma_start3A_450] : memref<32x160x64xi32, #tpu.memory_space<hbm>> -> memref<1x1x64xi32, #tpu.memory_space<hbm>>
        %dma_start3A_452 = tpu.memref_squeeze %dma_start3A_451 : memref<1x1x64xi32, #tpu.memory_space<hbm>> -> memref<64xi32, #tpu.memory_space<hbm>>
        tpu.enqueue_dma source(%dma_start3A_452 : memref<64xi32, #tpu.memory_space<hbm>>) target(%dma_start3A_449 : memref<64xi32, #tpu.memory_space<vmem>>) target_semaphore(%arg17 : memref<!tpu.dma_semaphore, #tpu.memory_space<semaphore_mem>>)
        %add3A_453 = arith.constant 2 : i32
        %add3A_454 = arith.addi %add3A_261, %add3A_453 : i32
        %dma_wait3A_455 = arith.constant 3 : i32
        %dma_wait3A_456 = arith.constant 0 : i32
        %dma_wait3A_457 = tpu.memref_slice %arg7[%dma_wait3A_455, %dma_wait3A_456] : memref<4x64xi32, #tpu.memory_space<vmem>> -> memref<1x64xi32, #tpu.memory_space<vmem>>
        %dma_wait3A_458 = tpu.memref_squeeze %dma_wait3A_457 : memref<1x64xi32, #tpu.memory_space<vmem>> -> memref<64xi32, #tpu.memory_space<vmem>>
        %dma_wait3A_459 = arith.constant 0 : i32
        %dma_wait3A_460 = tpu.memref_slice %arg3[%add3A, %add3A_454, %dma_wait3A_459] : memref<32x160x64xi32, #tpu.memory_space<hbm>> -> memref<1x1x64xi32, #tpu.memory_space<hbm>>
        %dma_wait3A_461 = tpu.memref_squeeze %dma_wait3A_460 : memref<1x1x64xi32, #tpu.memory_space<hbm>> -> memref<64xi32, #tpu.memory_space<hbm>>
        %dma_wait3A_462 = arith.constant 0 : i32
        %dma_wait3A_463 = tpu.memref_slice %arg7[%dma_wait3A_455, %dma_wait3A_462] : memref<4x64xi32, #tpu.memory_space<vmem>> -> memref<1x64xi32, #tpu.memory_space<vmem>>
        %dma_wait3A_464 = tpu.memref_squeeze %dma_wait3A_463 : memref<1x64xi32, #tpu.memory_space<vmem>> -> memref<64xi32, #tpu.memory_space<vmem>>
        %dma_wait3A_465 = arith.constant 0 : i32
        %dma_wait3A_466 = tpu.memref_slice %arg3[%add3A, %add3A_454, %dma_wait3A_465] : memref<32x160x64xi32, #tpu.memory_space<hbm>> -> memref<1x1x64xi32, #tpu.memory_space<hbm>>
        %dma_wait3A_467 = tpu.memref_squeeze %dma_wait3A_466 : memref<1x1x64xi32, #tpu.memory_space<hbm>> -> memref<64xi32, #tpu.memory_space<hbm>>
        tpu.wait_dma2 semaphore(%arg13 : memref<!tpu.dma_semaphore, #tpu.memory_space<semaphore_mem>>) src(%dma_wait3A_467 : memref<64xi32, #tpu.memory_space<hbm>>) dst(%dma_wait3A_464 : memref<64xi32, #tpu.memory_space<vmem>>)
        %dma_start3A_468 = arith.constant 3 : i32
        %dma_start3A_469 = arith.constant 3 : i32
        %dma_start3A_470 = arith.constant 0 : i32
        %dma_start3A_471 = arith.constant 0 : i32
        %dma_start3A_472 = tpu.memref_slice %arg9[%dma_start3A_469, %dma_start3A_470, %dma_start3A_471] : memref<4x64x128xf32, #tpu.memory_space<vmem>> -> memref<1x64x128xf32, #tpu.memory_space<vmem>>
        %dma_start3A_473 = tpu.memref_squeeze %dma_start3A_472 : memref<1x64x128xf32, #tpu.memory_space<vmem>> -> memref<64x128xf32, #tpu.memory_space<vmem>>
        %dma_start3A_474 = arith.constant 0 : i32
        %dma_start3A_475 = tpu.memref_slice %arg7[%dma_start3A_468, %dma_start3A_474] : memref<4x64xi32, #tpu.memory_space<vmem>> -> memref<1x64xi32, #tpu.memory_space<vmem>>
        %dma_start3A_476 = tpu.memref_squeeze %dma_start3A_475 : memref<1x64xi32, #tpu.memory_space<vmem>> -> memref<64xi32, #tpu.memory_space<vmem>>
        %dma_start3A_477 = arith.constant 0 : i32
        %dma_start3A_478 = arith.constant 0 : i32
        %dma_start3A_479 = tpu.memref_slice %arg2[%dma_start3A_477, %dma_start3A_478] : memref<10000x128xf32, #tpu.memory_space<hbm>> -> memref<10000x128xf32, #tpu.memory_space<hbm>>
        tpu.enqueue_indirect_dma source(%dma_start3A_479 : memref<10000x128xf32, #tpu.memory_space<hbm>>) target(%dma_start3A_473 : memref<64x128xf32, #tpu.memory_space<vmem>>) offsets(%dma_start3A_476 : memref<64xi32, #tpu.memory_space<vmem>>) semaphore(%arg21 : memref<!tpu.dma_semaphore, #tpu.memory_space<semaphore_mem>>)
      } else {
      }
      %mul3A_318 = arith.constant 4 : i32
      %mul3A_319 = arith.muli %scan3A_201, %mul3A_318 : i32
      %add3A_320 = arith.constant 2 : i32
      %add3A_321 = arith.addi %mul3A_319, %add3A_320 : i32
      %dma_wait3A_322 = arith.constant 2 : i32
      %dma_wait3A_323 = arith.constant 2 : i32
      %dma_wait3A_324 = arith.constant 0 : i32
      %dma_wait3A_325 = arith.constant 0 : i32
      %dma_wait3A_326 = tpu.memref_slice %arg9[%dma_wait3A_323, %dma_wait3A_324, %dma_wait3A_325] : memref<4x64x128xf32, #tpu.memory_space<vmem>> -> memref<1x64x128xf32, #tpu.memory_space<vmem>>
      %dma_wait3A_327 = tpu.memref_squeeze %dma_wait3A_326 : memref<1x64x128xf32, #tpu.memory_space<vmem>> -> memref<64x128xf32, #tpu.memory_space<vmem>>
      %dma_wait3A_328 = arith.constant 0 : i32
      %dma_wait3A_329 = tpu.memref_slice %arg7[%dma_wait3A_322, %dma_wait3A_328] : memref<4x64xi32, #tpu.memory_space<vmem>> -> memref<1x64xi32, #tpu.memory_space<vmem>>
      %dma_wait3A_330 = tpu.memref_squeeze %dma_wait3A_329 : memref<1x64xi32, #tpu.memory_space<vmem>> -> memref<64xi32, #tpu.memory_space<vmem>>
      %dma_wait3A_331 = arith.constant 0 : i32
      %dma_wait3A_332 = arith.constant 0 : i32
      %dma_wait3A_333 = tpu.memref_slice %arg2[%dma_wait3A_331, %dma_wait3A_332] : memref<10000x128xf32, #tpu.memory_space<hbm>> -> memref<10000x128xf32, #tpu.memory_space<hbm>>
      tpu.wait_indirect_dma semaphore(%arg20 : memref<!tpu.dma_semaphore, #tpu.memory_space<semaphore_mem>>) src(%dma_wait3A_333 : memref<10000x128xf32, #tpu.memory_space<hbm>>) dst(%dma_wait3A_327 : memref<64x128xf32, #tpu.memory_space<vmem>>)
      %add3A_334 = arith.constant 4 : i32
      %add3A_335 = arith.addi %add3A_321, %add3A_334 : i32
      %lt3A_336 = arith.constant 160 : i32
      %lt3A_337 = arith.cmpi slt, %add3A_335, %lt3A_336 : i32
      %convert_element_type3A_338 = arith.extui %lt3A_337 : i1 to i32
      %cond3A_339 = arith.constant 0 : i32
      %cond3A_340 = arith.cmpi ne, %convert_element_type3A_338, %cond3A_339 : i32
      scf.if %cond3A_340 {
        %add3A_438 = arith.constant 4 : i32
        %add3A_439 = arith.addi %add3A_321, %add3A_438 : i32
        %dma_start3A_440 = arith.constant 2 : i32
        %dma_start3A_441 = arith.constant 0 : i32
        %dma_start3A_442 = tpu.memref_slice %arg7[%dma_start3A_440, %dma_start3A_441] : memref<4x64xi32, #tpu.memory_space<vmem>> -> memref<1x64xi32, #tpu.memory_space<vmem>>
        %dma_start3A_443 = tpu.memref_squeeze %dma_start3A_442 : memref<1x64xi32, #tpu.memory_space<vmem>> -> memref<64xi32, #tpu.memory_space<vmem>>
        %dma_start3A_444 = arith.constant 0 : i32
        %dma_start3A_445 = tpu.memref_slice %arg3[%add3A, %add3A_439, %dma_start3A_444] : memref<32x160x64xi32, #tpu.memory_space<hbm>> -> memref<1x1x64xi32, #tpu.memory_space<hbm>>
        %dma_start3A_446 = tpu.memref_squeeze %dma_start3A_445 : memref<1x1x64xi32, #tpu.memory_space<hbm>> -> memref<64xi32, #tpu.memory_space<hbm>>
        %dma_start3A_447 = arith.constant 0 : i32
        %dma_start3A_448 = tpu.memref_slice %arg7[%dma_start3A_440, %dma_start3A_447] : memref<4x64xi32, #tpu.memory_space<vmem>> -> memref<1x64xi32, #tpu.memory_space<vmem>>
        %dma_start3A_449 = tpu.memref_squeeze %dma_start3A_448 : memref<1x64xi32, #tpu.memory_space<vmem>> -> memref<64xi32, #tpu.memory_space<vmem>>
        %dma_start3A_450 = arith.constant 0 : i32
        %dma_start3A_451 = tpu.memref_slice %arg3[%add3A, %add3A_439, %dma_start3A_450] : memref<32x160x64xi32, #tpu.memory_space<hbm>> -> memref<1x1x64xi32, #tpu.memory_space<hbm>>
        %dma_start3A_452 = tpu.memref_squeeze %dma_start3A_451 : memref<1x1x64xi32, #tpu.memory_space<hbm>> -> memref<64xi32, #tpu.memory_space<hbm>>
        tpu.enqueue_dma source(%dma_start3A_452 : memref<64xi32, #tpu.memory_space<hbm>>) target(%dma_start3A_449 : memref<64xi32, #tpu.memory_space<vmem>>) target_semaphore(%arg12 : memref<!tpu.dma_semaphore, #tpu.memory_space<semaphore_mem>>)
      } else {
      }
      %dma_wait3A_341 = arith.constant 2 : i32
      %dma_wait3A_342 = arith.constant 0 : i32
      %dma_wait3A_343 = tpu.memref_slice %arg8[%dma_wait3A_341, %dma_wait3A_342] : memref<4x64xi32, #tpu.memory_space<vmem>> -> memref<1x64xi32, #tpu.memory_space<vmem>>
      %dma_wait3A_344 = tpu.memref_squeeze %dma_wait3A_343 : memref<1x64xi32, #tpu.memory_space<vmem>> -> memref<64xi32, #tpu.memory_space<vmem>>
      %dma_wait3A_345 = arith.constant 0 : i32
      %dma_wait3A_346 = tpu.memref_slice %arg4[%add3A, %add3A_321, %dma_wait3A_345] : memref<32x160x64xi32, #tpu.memory_space<hbm>> -> memref<1x1x64xi32, #tpu.memory_space<hbm>>
      %dma_wait3A_347 = tpu.memref_squeeze %dma_wait3A_346 : memref<1x1x64xi32, #tpu.memory_space<hbm>> -> memref<64xi32, #tpu.memory_space<hbm>>
      %dma_wait3A_348 = arith.constant 0 : i32
      %dma_wait3A_349 = tpu.memref_slice %arg8[%dma_wait3A_341, %dma_wait3A_348] : memref<4x64xi32, #tpu.memory_space<vmem>> -> memref<1x64xi32, #tpu.memory_space<vmem>>
      %dma_wait3A_350 = tpu.memref_squeeze %dma_wait3A_349 : memref<1x64xi32, #tpu.memory_space<vmem>> -> memref<64xi32, #tpu.memory_space<vmem>>
      %dma_wait3A_351 = arith.constant 0 : i32
      %dma_wait3A_352 = tpu.memref_slice %arg4[%add3A, %add3A_321, %dma_wait3A_351] : memref<32x160x64xi32, #tpu.memory_space<hbm>> -> memref<1x1x64xi32, #tpu.memory_space<hbm>>
      %dma_wait3A_353 = tpu.memref_squeeze %dma_wait3A_352 : memref<1x1x64xi32, #tpu.memory_space<hbm>> -> memref<64xi32, #tpu.memory_space<hbm>>
      tpu.wait_dma2 semaphore(%arg16 : memref<!tpu.dma_semaphore, #tpu.memory_space<semaphore_mem>>) src(%dma_wait3A_353 : memref<64xi32, #tpu.memory_space<hbm>>) dst(%dma_wait3A_350 : memref<64xi32, #tpu.memory_space<vmem>>)
      %dma_start3A_354 = arith.constant 2 : i32
      %dma_start3A_355 = arith.constant 2 : i32
      %dma_start3A_356 = arith.constant 0 : i32
      %dma_start3A_357 = arith.constant 0 : i32
      %dma_start3A_358 = tpu.memref_slice %arg9[%dma_start3A_354, %dma_start3A_356, %dma_start3A_357] : memref<4x64x128xf32, #tpu.memory_space<vmem>> -> memref<1x64x128xf32, #tpu.memory_space<vmem>>
      %dma_start3A_359 = tpu.memref_squeeze %dma_start3A_358 : memref<1x64x128xf32, #tpu.memory_space<vmem>> -> memref<64x128xf32, #tpu.memory_space<vmem>>
      %dma_start3A_360 = arith.constant 0 : i32
      %dma_start3A_361 = tpu.memref_slice %arg8[%dma_start3A_355, %dma_start3A_360] : memref<4x64xi32, #tpu.memory_space<vmem>> -> memref<1x64xi32, #tpu.memory_space<vmem>>
      %dma_start3A_362 = tpu.memref_squeeze %dma_start3A_361 : memref<1x64xi32, #tpu.memory_space<vmem>> -> memref<64xi32, #tpu.memory_space<vmem>>
      %dma_start3A_363 = arith.constant 0 : i32
      %dma_start3A_364 = arith.constant 0 : i32
      %dma_start3A_365 = tpu.memref_slice %arg6[%dma_start3A_363, %dma_start3A_364] : memref<10112x128xf32, #tpu.memory_space<vmem_shared>> -> memref<10112x128xf32, #tpu.memory_space<vmem_shared>>
      tpu.enqueue_indirect_dma source(%dma_start3A_359 : memref<64x128xf32, #tpu.memory_space<vmem>>) target(%dma_start3A_365 : memref<10112x128xf32, #tpu.memory_space<vmem_shared>>) offsets(%dma_start3A_362 : memref<64xi32, #tpu.memory_space<vmem>>) semaphore(%arg24 : memref<!tpu.dma_semaphore, #tpu.memory_space<semaphore_mem>>) {add = true}
      %ge3A_366 = arith.constant 2 : i32
      %ge3A_367 = arith.cmpi sge, %add3A_321, %ge3A_366 : i32
      %convert_element_type3A_368 = arith.extui %ge3A_367 : i1 to i32
      %cond3A_369 = arith.constant 0 : i32
      %cond3A_370 = arith.cmpi ne, %convert_element_type3A_368, %cond3A_369 : i32
      scf.if %cond3A_370 {
        %dma_wait3A_438 = arith.constant 0 : i32
        %dma_wait3A_439 = arith.constant 0 : i32
        %dma_wait3A_440 = arith.constant 0 : i32
        %dma_wait3A_441 = arith.constant 0 : i32
        %dma_wait3A_442 = tpu.memref_slice %arg9[%dma_wait3A_438, %dma_wait3A_440, %dma_wait3A_441] : memref<4x64x128xf32, #tpu.memory_space<vmem>> -> memref<1x64x128xf32, #tpu.memory_space<vmem>>
        %dma_wait3A_443 = tpu.memref_squeeze %dma_wait3A_442 : memref<1x64x128xf32, #tpu.memory_space<vmem>> -> memref<64x128xf32, #tpu.memory_space<vmem>>
        %dma_wait3A_444 = arith.constant 0 : i32
        %dma_wait3A_445 = tpu.memref_slice %arg8[%dma_wait3A_439, %dma_wait3A_444] : memref<4x64xi32, #tpu.memory_space<vmem>> -> memref<1x64xi32, #tpu.memory_space<vmem>>
        %dma_wait3A_446 = tpu.memref_squeeze %dma_wait3A_445 : memref<1x64xi32, #tpu.memory_space<vmem>> -> memref<64xi32, #tpu.memory_space<vmem>>
        %dma_wait3A_447 = arith.constant 0 : i32
        %dma_wait3A_448 = arith.constant 0 : i32
        %dma_wait3A_449 = tpu.memref_slice %arg6[%dma_wait3A_447, %dma_wait3A_448] : memref<10112x128xf32, #tpu.memory_space<vmem_shared>> -> memref<10112x128xf32, #tpu.memory_space<vmem_shared>>
        tpu.wait_indirect_dma semaphore(%arg22 : memref<!tpu.dma_semaphore, #tpu.memory_space<semaphore_mem>>) src(%dma_wait3A_443 : memref<64x128xf32, #tpu.memory_space<vmem>>) dst(%dma_wait3A_449 : memref<10112x128xf32, #tpu.memory_space<vmem_shared>>)
      } else {
      }
      %add3A_371 = arith.constant 2 : i32
      %add3A_372 = arith.addi %add3A_321, %add3A_371 : i32
      %lt3A_373 = arith.constant 160 : i32
      %lt3A_374 = arith.cmpi slt, %add3A_372, %lt3A_373 : i32
      %convert_element_type3A_375 = arith.extui %lt3A_374 : i1 to i32
      %cond3A_376 = arith.constant 0 : i32
      %cond3A_377 = arith.cmpi ne, %convert_element_type3A_375, %cond3A_376 : i32
      scf.if %cond3A_377 {
        %add3A_438 = arith.constant 2 : i32
        %add3A_439 = arith.addi %add3A_321, %add3A_438 : i32
        %dma_start3A_440 = arith.constant 0 : i32
        %dma_start3A_441 = arith.constant 0 : i32
        %dma_start3A_442 = tpu.memref_slice %arg8[%dma_start3A_440, %dma_start3A_441] : memref<4x64xi32, #tpu.memory_space<vmem>> -> memref<1x64xi32, #tpu.memory_space<vmem>>
        %dma_start3A_443 = tpu.memref_squeeze %dma_start3A_442 : memref<1x64xi32, #tpu.memory_space<vmem>> -> memref<64xi32, #tpu.memory_space<vmem>>
        %dma_start3A_444 = arith.constant 0 : i32
        %dma_start3A_445 = tpu.memref_slice %arg4[%add3A, %add3A_439, %dma_start3A_444] : memref<32x160x64xi32, #tpu.memory_space<hbm>> -> memref<1x1x64xi32, #tpu.memory_space<hbm>>
        %dma_start3A_446 = tpu.memref_squeeze %dma_start3A_445 : memref<1x1x64xi32, #tpu.memory_space<hbm>> -> memref<64xi32, #tpu.memory_space<hbm>>
        %dma_start3A_447 = arith.constant 0 : i32
        %dma_start3A_448 = tpu.memref_slice %arg8[%dma_start3A_440, %dma_start3A_447] : memref<4x64xi32, #tpu.memory_space<vmem>> -> memref<1x64xi32, #tpu.memory_space<vmem>>
        %dma_start3A_449 = tpu.memref_squeeze %dma_start3A_448 : memref<1x64xi32, #tpu.memory_space<vmem>> -> memref<64xi32, #tpu.memory_space<vmem>>
        %dma_start3A_450 = arith.constant 0 : i32
        %dma_start3A_451 = tpu.memref_slice %arg4[%add3A, %add3A_439, %dma_start3A_450] : memref<32x160x64xi32, #tpu.memory_space<hbm>> -> memref<1x1x64xi32, #tpu.memory_space<hbm>>
        %dma_start3A_452 = tpu.memref_squeeze %dma_start3A_451 : memref<1x1x64xi32, #tpu.memory_space<hbm>> -> memref<64xi32, #tpu.memory_space<hbm>>
        tpu.enqueue_dma source(%dma_start3A_452 : memref<64xi32, #tpu.memory_space<hbm>>) target(%dma_start3A_449 : memref<64xi32, #tpu.memory_space<vmem>>) target_semaphore(%arg14 : memref<!tpu.dma_semaphore, #tpu.memory_space<semaphore_mem>>)
        %add3A_453 = arith.constant 2 : i32
        %add3A_454 = arith.addi %add3A_321, %add3A_453 : i32
        %dma_wait3A_455 = arith.constant 0 : i32
        %dma_wait3A_456 = arith.constant 0 : i32
        %dma_wait3A_457 = tpu.memref_slice %arg7[%dma_wait3A_455, %dma_wait3A_456] : memref<4x64xi32, #tpu.memory_space<vmem>> -> memref<1x64xi32, #tpu.memory_space<vmem>>
        %dma_wait3A_458 = tpu.memref_squeeze %dma_wait3A_457 : memref<1x64xi32, #tpu.memory_space<vmem>> -> memref<64xi32, #tpu.memory_space<vmem>>
        %dma_wait3A_459 = arith.constant 0 : i32
        %dma_wait3A_460 = tpu.memref_slice %arg3[%add3A, %add3A_454, %dma_wait3A_459] : memref<32x160x64xi32, #tpu.memory_space<hbm>> -> memref<1x1x64xi32, #tpu.memory_space<hbm>>
        %dma_wait3A_461 = tpu.memref_squeeze %dma_wait3A_460 : memref<1x1x64xi32, #tpu.memory_space<hbm>> -> memref<64xi32, #tpu.memory_space<hbm>>
        %dma_wait3A_462 = arith.constant 0 : i32
        %dma_wait3A_463 = tpu.memref_slice %arg7[%dma_wait3A_455, %dma_wait3A_462] : memref<4x64xi32, #tpu.memory_space<vmem>> -> memref<1x64xi32, #tpu.memory_space<vmem>>
        %dma_wait3A_464 = tpu.memref_squeeze %dma_wait3A_463 : memref<1x64xi32, #tpu.memory_space<vmem>> -> memref<64xi32, #tpu.memory_space<vmem>>
        %dma_wait3A_465 = arith.constant 0 : i32
        %dma_wait3A_466 = tpu.memref_slice %arg3[%add3A, %add3A_454, %dma_wait3A_465] : memref<32x160x64xi32, #tpu.memory_space<hbm>> -> memref<1x1x64xi32, #tpu.memory_space<hbm>>
        %dma_wait3A_467 = tpu.memref_squeeze %dma_wait3A_466 : memref<1x1x64xi32, #tpu.memory_space<hbm>> -> memref<64xi32, #tpu.memory_space<hbm>>
        tpu.wait_dma2 semaphore(%arg10 : memref<!tpu.dma_semaphore, #tpu.memory_space<semaphore_mem>>) src(%dma_wait3A_467 : memref<64xi32, #tpu.memory_space<hbm>>) dst(%dma_wait3A_464 : memref<64xi32, #tpu.memory_space<vmem>>)
        %dma_start3A_468 = arith.constant 0 : i32
        %dma_start3A_469 = arith.constant 0 : i32
        %dma_start3A_470 = arith.constant 0 : i32
        %dma_start3A_471 = arith.constant 0 : i32
        %dma_start3A_472 = tpu.memref_slice %arg9[%dma_start3A_469, %dma_start3A_470, %dma_start3A_471] : memref<4x64x128xf32, #tpu.memory_space<vmem>> -> memref<1x64x128xf32, #tpu.memory_space<vmem>>
        %dma_start3A_473 = tpu.memref_squeeze %dma_start3A_472 : memref<1x64x128xf32, #tpu.memory_space<vmem>> -> memref<64x128xf32, #tpu.memory_space<vmem>>
        %dma_start3A_474 = arith.constant 0 : i32
        %dma_start3A_475 = tpu.memref_slice %arg7[%dma_start3A_468, %dma_start3A_474] : memref<4x64xi32, #tpu.memory_space<vmem>> -> memref<1x64xi32, #tpu.memory_space<vmem>>
        %dma_start3A_476 = tpu.memref_squeeze %dma_start3A_475 : memref<1x64xi32, #tpu.memory_space<vmem>> -> memref<64xi32, #tpu.memory_space<vmem>>
        %dma_start3A_477 = arith.constant 0 : i32
        %dma_start3A_478 = arith.constant 0 : i32
        %dma_start3A_479 = tpu.memref_slice %arg2[%dma_start3A_477, %dma_start3A_478] : memref<10000x128xf32, #tpu.memory_space<hbm>> -> memref<10000x128xf32, #tpu.memory_space<hbm>>
        tpu.enqueue_indirect_dma source(%dma_start3A_479 : memref<10000x128xf32, #tpu.memory_space<hbm>>) target(%dma_start3A_473 : memref<64x128xf32, #tpu.memory_space<vmem>>) offsets(%dma_start3A_476 : memref<64xi32, #tpu.memory_space<vmem>>) semaphore(%arg18 : memref<!tpu.dma_semaphore, #tpu.memory_space<semaphore_mem>>)
      } else {
      }
      %mul3A_378 = arith.constant 4 : i32
      %mul3A_379 = arith.muli %scan3A_201, %mul3A_378 : i32
      %add3A_380 = arith.constant 3 : i32
      %add3A_381 = arith.addi %mul3A_379, %add3A_380 : i32
      %dma_wait3A_382 = arith.constant 3 : i32
      %dma_wait3A_383 = arith.constant 3 : i32
      %dma_wait3A_384 = arith.constant 0 : i32
      %dma_wait3A_385 = arith.constant 0 : i32
      %dma_wait3A_386 = tpu.memref_slice %arg9[%dma_wait3A_383, %dma_wait3A_384, %dma_wait3A_385] : memref<4x64x128xf32, #tpu.memory_space<vmem>> -> memref<1x64x128xf32, #tpu.memory_space<vmem>>
      %dma_wait3A_387 = tpu.memref_squeeze %dma_wait3A_386 : memref<1x64x128xf32, #tpu.memory_space<vmem>> -> memref<64x128xf32, #tpu.memory_space<vmem>>
      %dma_wait3A_388 = arith.constant 0 : i32
      %dma_wait3A_389 = tpu.memref_slice %arg7[%dma_wait3A_382, %dma_wait3A_388] : memref<4x64xi32, #tpu.memory_space<vmem>> -> memref<1x64xi32, #tpu.memory_space<vmem>>
      %dma_wait3A_390 = tpu.memref_squeeze %dma_wait3A_389 : memref<1x64xi32, #tpu.memory_space<vmem>> -> memref<64xi32, #tpu.memory_space<vmem>>
      %dma_wait3A_391 = arith.constant 0 : i32
      %dma_wait3A_392 = arith.constant 0 : i32
      %dma_wait3A_393 = tpu.memref_slice %arg2[%dma_wait3A_391, %dma_wait3A_392] : memref<10000x128xf32, #tpu.memory_space<hbm>> -> memref<10000x128xf32, #tpu.memory_space<hbm>>
      tpu.wait_indirect_dma semaphore(%arg21 : memref<!tpu.dma_semaphore, #tpu.memory_space<semaphore_mem>>) src(%dma_wait3A_393 : memref<10000x128xf32, #tpu.memory_space<hbm>>) dst(%dma_wait3A_387 : memref<64x128xf32, #tpu.memory_space<vmem>>)
      %add3A_394 = arith.constant 4 : i32
      %add3A_395 = arith.addi %add3A_381, %add3A_394 : i32
      %lt3A_396 = arith.constant 160 : i32
      %lt3A_397 = arith.cmpi slt, %add3A_395, %lt3A_396 : i32
      %convert_element_type3A_398 = arith.extui %lt3A_397 : i1 to i32
      %cond3A_399 = arith.constant 0 : i32
      %cond3A_400 = arith.cmpi ne, %convert_element_type3A_398, %cond3A_399 : i32
      scf.if %cond3A_400 {
        %add3A_438 = arith.constant 4 : i32
        %add3A_439 = arith.addi %add3A_381, %add3A_438 : i32
        %dma_start3A_440 = arith.constant 3 : i32
        %dma_start3A_441 = arith.constant 0 : i32
        %dma_start3A_442 = tpu.memref_slice %arg7[%dma_start3A_440, %dma_start3A_441] : memref<4x64xi32, #tpu.memory_space<vmem>> -> memref<1x64xi32, #tpu.memory_space<vmem>>
        %dma_start3A_443 = tpu.memref_squeeze %dma_start3A_442 : memref<1x64xi32, #tpu.memory_space<vmem>> -> memref<64xi32, #tpu.memory_space<vmem>>
        %dma_start3A_444 = arith.constant 0 : i32
        %dma_start3A_445 = tpu.memref_slice %arg3[%add3A, %add3A_439, %dma_start3A_444] : memref<32x160x64xi32, #tpu.memory_space<hbm>> -> memref<1x1x64xi32, #tpu.memory_space<hbm>>
        %dma_start3A_446 = tpu.memref_squeeze %dma_start3A_445 : memref<1x1x64xi32, #tpu.memory_space<hbm>> -> memref<64xi32, #tpu.memory_space<hbm>>
        %dma_start3A_447 = arith.constant 0 : i32
        %dma_start3A_448 = tpu.memref_slice %arg7[%dma_start3A_440, %dma_start3A_447] : memref<4x64xi32, #tpu.memory_space<vmem>> -> memref<1x64xi32, #tpu.memory_space<vmem>>
        %dma_start3A_449 = tpu.memref_squeeze %dma_start3A_448 : memref<1x64xi32, #tpu.memory_space<vmem>> -> memref<64xi32, #tpu.memory_space<vmem>>
        %dma_start3A_450 = arith.constant 0 : i32
        %dma_start3A_451 = tpu.memref_slice %arg3[%add3A, %add3A_439, %dma_start3A_450] : memref<32x160x64xi32, #tpu.memory_space<hbm>> -> memref<1x1x64xi32, #tpu.memory_space<hbm>>
        %dma_start3A_452 = tpu.memref_squeeze %dma_start3A_451 : memref<1x1x64xi32, #tpu.memory_space<hbm>> -> memref<64xi32, #tpu.memory_space<hbm>>
        tpu.enqueue_dma source(%dma_start3A_452 : memref<64xi32, #tpu.memory_space<hbm>>) target(%dma_start3A_449 : memref<64xi32, #tpu.memory_space<vmem>>) target_semaphore(%arg13 : memref<!tpu.dma_semaphore, #tpu.memory_space<semaphore_mem>>)
      } else {
      }
      %dma_wait3A_401 = arith.constant 3 : i32
      %dma_wait3A_402 = arith.constant 0 : i32
      %dma_wait3A_403 = tpu.memref_slice %arg8[%dma_wait3A_401, %dma_wait3A_402] : memref<4x64xi32, #tpu.memory_space<vmem>> -> memref<1x64xi32, #tpu.memory_space<vmem>>
      %dma_wait3A_404 = tpu.memref_squeeze %dma_wait3A_403 : memref<1x64xi32, #tpu.memory_space<vmem>> -> memref<64xi32, #tpu.memory_space<vmem>>
      %dma_wait3A_405 = arith.constant 0 : i32
      %dma_wait3A_406 = tpu.memref_slice %arg4[%add3A, %add3A_381, %dma_wait3A_405] : memref<32x160x64xi32, #tpu.memory_space<hbm>> -> memref<1x1x64xi32, #tpu.memory_space<hbm>>
      %dma_wait3A_407 = tpu.memref_squeeze %dma_wait3A_406 : memref<1x1x64xi32, #tpu.memory_space<hbm>> -> memref<64xi32, #tpu.memory_space<hbm>>
      %dma_wait3A_408 = arith.constant 0 : i32
      %dma_wait3A_409 = tpu.memref_slice %arg8[%dma_wait3A_401, %dma_wait3A_408] : memref<4x64xi32, #tpu.memory_space<vmem>> -> memref<1x64xi32, #tpu.memory_space<vmem>>
      %dma_wait3A_410 = tpu.memref_squeeze %dma_wait3A_409 : memref<1x64xi32, #tpu.memory_space<vmem>> -> memref<64xi32, #tpu.memory_space<vmem>>
      %dma_wait3A_411 = arith.constant 0 : i32
      %dma_wait3A_412 = tpu.memref_slice %arg4[%add3A, %add3A_381, %dma_wait3A_411] : memref<32x160x64xi32, #tpu.memory_space<hbm>> -> memref<1x1x64xi32, #tpu.memory_space<hbm>>
      %dma_wait3A_413 = tpu.memref_squeeze %dma_wait3A_412 : memref<1x1x64xi32, #tpu.memory_space<hbm>> -> memref<64xi32, #tpu.memory_space<hbm>>
      tpu.wait_dma2 semaphore(%arg17 : memref<!tpu.dma_semaphore, #tpu.memory_space<semaphore_mem>>) src(%dma_wait3A_413 : memref<64xi32, #tpu.memory_space<hbm>>) dst(%dma_wait3A_410 : memref<64xi32, #tpu.memory_space<vmem>>)
      %dma_start3A_414 = arith.constant 3 : i32
      %dma_start3A_415 = arith.constant 3 : i32
      %dma_start3A_416 = arith.constant 0 : i32
      %dma_start3A_417 = arith.constant 0 : i32
      %dma_start3A_418 = tpu.memref_slice %arg9[%dma_start3A_414, %dma_start3A_416, %dma_start3A_417] : memref<4x64x128xf32, #tpu.memory_space<vmem>> -> memref<1x64x128xf32, #tpu.memory_space<vmem>>
      %dma_start3A_419 = tpu.memref_squeeze %dma_start3A_418 : memref<1x64x128xf32, #tpu.memory_space<vmem>> -> memref<64x128xf32, #tpu.memory_space<vmem>>
      %dma_start3A_420 = arith.constant 0 : i32
      %dma_start3A_421 = tpu.memref_slice %arg8[%dma_start3A_415, %dma_start3A_420] : memref<4x64xi32, #tpu.memory_space<vmem>> -> memref<1x64xi32, #tpu.memory_space<vmem>>
      %dma_start3A_422 = tpu.memref_squeeze %dma_start3A_421 : memref<1x64xi32, #tpu.memory_space<vmem>> -> memref<64xi32, #tpu.memory_space<vmem>>
      %dma_start3A_423 = arith.constant 0 : i32
      %dma_start3A_424 = arith.constant 0 : i32
      %dma_start3A_425 = tpu.memref_slice %arg6[%dma_start3A_423, %dma_start3A_424] : memref<10112x128xf32, #tpu.memory_space<vmem_shared>> -> memref<10112x128xf32, #tpu.memory_space<vmem_shared>>
      tpu.enqueue_indirect_dma source(%dma_start3A_419 : memref<64x128xf32, #tpu.memory_space<vmem>>) target(%dma_start3A_425 : memref<10112x128xf32, #tpu.memory_space<vmem_shared>>) offsets(%dma_start3A_422 : memref<64xi32, #tpu.memory_space<vmem>>) semaphore(%arg25 : memref<!tpu.dma_semaphore, #tpu.memory_space<semaphore_mem>>) {add = true}
      %ge3A_426 = arith.constant 2 : i32
      %ge3A_427 = arith.cmpi sge, %add3A_381, %ge3A_426 : i32
      %convert_element_type3A_428 = arith.extui %ge3A_427 : i1 to i32
      %cond3A_429 = arith.constant 0 : i32
      %cond3A_430 = arith.cmpi ne, %convert_element_type3A_428, %cond3A_429 : i32
      scf.if %cond3A_430 {
        %dma_wait3A_438 = arith.constant 1 : i32
        %dma_wait3A_439 = arith.constant 1 : i32
        %dma_wait3A_440 = arith.constant 0 : i32
        %dma_wait3A_441 = arith.constant 0 : i32
        %dma_wait3A_442 = tpu.memref_slice %arg9[%dma_wait3A_438, %dma_wait3A_440, %dma_wait3A_441] : memref<4x64x128xf32, #tpu.memory_space<vmem>> -> memref<1x64x128xf32, #tpu.memory_space<vmem>>
        %dma_wait3A_443 = tpu.memref_squeeze %dma_wait3A_442 : memref<1x64x128xf32, #tpu.memory_space<vmem>> -> memref<64x128xf32, #tpu.memory_space<vmem>>
        %dma_wait3A_444 = arith.constant 0 : i32
        %dma_wait3A_445 = tpu.memref_slice %arg8[%dma_wait3A_439, %dma_wait3A_444] : memref<4x64xi32, #tpu.memory_space<vmem>> -> memref<1x64xi32, #tpu.memory_space<vmem>>
        %dma_wait3A_446 = tpu.memref_squeeze %dma_wait3A_445 : memref<1x64xi32, #tpu.memory_space<vmem>> -> memref<64xi32, #tpu.memory_space<vmem>>
        %dma_wait3A_447 = arith.constant 0 : i32
        %dma_wait3A_448 = arith.constant 0 : i32
        %dma_wait3A_449 = tpu.memref_slice %arg6[%dma_wait3A_447, %dma_wait3A_448] : memref<10112x128xf32, #tpu.memory_space<vmem_shared>> -> memref<10112x128xf32, #tpu.memory_space<vmem_shared>>
        tpu.wait_indirect_dma semaphore(%arg23 : memref<!tpu.dma_semaphore, #tpu.memory_space<semaphore_mem>>) src(%dma_wait3A_443 : memref<64x128xf32, #tpu.memory_space<vmem>>) dst(%dma_wait3A_449 : memref<10112x128xf32, #tpu.memory_space<vmem_shared>>)
      } else {
      }
      %add3A_431 = arith.constant 2 : i32
      %add3A_432 = arith.addi %add3A_381, %add3A_431 : i32
      %lt3A_433 = arith.constant 160 : i32
      %lt3A_434 = arith.cmpi slt, %add3A_432, %lt3A_433 : i32
      %convert_element_type3A_435 = arith.extui %lt3A_434 : i1 to i32
      %cond3A_436 = arith.constant 0 : i32
      %cond3A_437 = arith.cmpi ne, %convert_element_type3A_435, %cond3A_436 : i32
      scf.if %cond3A_437 {
        %add3A_438 = arith.constant 2 : i32
        %add3A_439 = arith.addi %add3A_381, %add3A_438 : i32
        %dma_start3A_440 = arith.constant 1 : i32
        %dma_start3A_441 = arith.constant 0 : i32
        %dma_start3A_442 = tpu.memref_slice %arg8[%dma_start3A_440, %dma_start3A_441] : memref<4x64xi32, #tpu.memory_space<vmem>> -> memref<1x64xi32, #tpu.memory_space<vmem>>
        %dma_start3A_443 = tpu.memref_squeeze %dma_start3A_442 : memref<1x64xi32, #tpu.memory_space<vmem>> -> memref<64xi32, #tpu.memory_space<vmem>>
        %dma_start3A_444 = arith.constant 0 : i32
        %dma_start3A_445 = tpu.memref_slice %arg4[%add3A, %add3A_439, %dma_start3A_444] : memref<32x160x64xi32, #tpu.memory_space<hbm>> -> memref<1x1x64xi32, #tpu.memory_space<hbm>>
        %dma_start3A_446 = tpu.memref_squeeze %dma_start3A_445 : memref<1x1x64xi32, #tpu.memory_space<hbm>> -> memref<64xi32, #tpu.memory_space<hbm>>
        %dma_start3A_447 = arith.constant 0 : i32
        %dma_start3A_448 = tpu.memref_slice %arg8[%dma_start3A_440, %dma_start3A_447] : memref<4x64xi32, #tpu.memory_space<vmem>> -> memref<1x64xi32, #tpu.memory_space<vmem>>
        %dma_start3A_449 = tpu.memref_squeeze %dma_start3A_448 : memref<1x64xi32, #tpu.memory_space<vmem>> -> memref<64xi32, #tpu.memory_space<vmem>>
        %dma_start3A_450 = arith.constant 0 : i32
        %dma_start3A_451 = tpu.memref_slice %arg4[%add3A, %add3A_439, %dma_start3A_450] : memref<32x160x64xi32, #tpu.memory_space<hbm>> -> memref<1x1x64xi32, #tpu.memory_space<hbm>>
        %dma_start3A_452 = tpu.memref_squeeze %dma_start3A_451 : memref<1x1x64xi32, #tpu.memory_space<hbm>> -> memref<64xi32, #tpu.memory_space<hbm>>
        tpu.enqueue_dma source(%dma_start3A_452 : memref<64xi32, #tpu.memory_space<hbm>>) target(%dma_start3A_449 : memref<64xi32, #tpu.memory_space<vmem>>) target_semaphore(%arg15 : memref<!tpu.dma_semaphore, #tpu.memory_space<semaphore_mem>>)
        %add3A_453 = arith.constant 2 : i32
        %add3A_454 = arith.addi %add3A_381, %add3A_453 : i32
        %dma_wait3A_455 = arith.constant 1 : i32
        %dma_wait3A_456 = arith.constant 0 : i32
        %dma_wait3A_457 = tpu.memref_slice %arg7[%dma_wait3A_455, %dma_wait3A_456] : memref<4x64xi32, #tpu.memory_space<vmem>> -> memref<1x64xi32, #tpu.memory_space<vmem>>
        %dma_wait3A_458 = tpu.memref_squeeze %dma_wait3A_457 : memref<1x64xi32, #tpu.memory_space<vmem>> -> memref<64xi32, #tpu.memory_space<vmem>>
        %dma_wait3A_459 = arith.constant 0 : i32
        %dma_wait3A_460 = tpu.memref_slice %arg3[%add3A, %add3A_454, %dma_wait3A_459] : memref<32x160x64xi32, #tpu.memory_space<hbm>> -> memref<1x1x64xi32, #tpu.memory_space<hbm>>
        %dma_wait3A_461 = tpu.memref_squeeze %dma_wait3A_460 : memref<1x1x64xi32, #tpu.memory_space<hbm>> -> memref<64xi32, #tpu.memory_space<hbm>>
        %dma_wait3A_462 = arith.constant 0 : i32
        %dma_wait3A_463 = tpu.memref_slice %arg7[%dma_wait3A_455, %dma_wait3A_462] : memref<4x64xi32, #tpu.memory_space<vmem>> -> memref<1x64xi32, #tpu.memory_space<vmem>>
        %dma_wait3A_464 = tpu.memref_squeeze %dma_wait3A_463 : memref<1x64xi32, #tpu.memory_space<vmem>> -> memref<64xi32, #tpu.memory_space<vmem>>
        %dma_wait3A_465 = arith.constant 0 : i32
        %dma_wait3A_466 = tpu.memref_slice %arg3[%add3A, %add3A_454, %dma_wait3A_465] : memref<32x160x64xi32, #tpu.memory_space<hbm>> -> memref<1x1x64xi32, #tpu.memory_space<hbm>>
        %dma_wait3A_467 = tpu.memref_squeeze %dma_wait3A_466 : memref<1x1x64xi32, #tpu.memory_space<hbm>> -> memref<64xi32, #tpu.memory_space<hbm>>
        tpu.wait_dma2 semaphore(%arg11 : memref<!tpu.dma_semaphore, #tpu.memory_space<semaphore_mem>>) src(%dma_wait3A_467 : memref<64xi32, #tpu.memory_space<hbm>>) dst(%dma_wait3A_464 : memref<64xi32, #tpu.memory_space<vmem>>)
        %dma_start3A_468 = arith.constant 1 : i32
        %dma_start3A_469 = arith.constant 1 : i32
        %dma_start3A_470 = arith.constant 0 : i32
        %dma_start3A_471 = arith.constant 0 : i32
        %dma_start3A_472 = tpu.memref_slice %arg9[%dma_start3A_469, %dma_start3A_470, %dma_start3A_471] : memref<4x64x128xf32, #tpu.memory_space<vmem>> -> memref<1x64x128xf32, #tpu.memory_space<vmem>>
        %dma_start3A_473 = tpu.memref_squeeze %dma_start3A_472 : memref<1x64x128xf32, #tpu.memory_space<vmem>> -> memref<64x128xf32, #tpu.memory_space<vmem>>
        %dma_start3A_474 = arith.constant 0 : i32
        %dma_start3A_475 = tpu.memref_slice %arg7[%dma_start3A_468, %dma_start3A_474] : memref<4x64xi32, #tpu.memory_space<vmem>> -> memref<1x64xi32, #tpu.memory_space<vmem>>
        %dma_start3A_476 = tpu.memref_squeeze %dma_start3A_475 : memref<1x64xi32, #tpu.memory_space<vmem>> -> memref<64xi32, #tpu.memory_space<vmem>>
        %dma_start3A_477 = arith.constant 0 : i32
        %dma_start3A_478 = arith.constant 0 : i32
        %dma_start3A_479 = tpu.memref_slice %arg2[%dma_start3A_477, %dma_start3A_478] : memref<10000x128xf32, #tpu.memory_space<hbm>> -> memref<10000x128xf32, #tpu.memory_space<hbm>>
        tpu.enqueue_indirect_dma source(%dma_start3A_479 : memref<10000x128xf32, #tpu.memory_space<hbm>>) target(%dma_start3A_473 : memref<64x128xf32, #tpu.memory_space<vmem>>) offsets(%dma_start3A_476 : memref<64xi32, #tpu.memory_space<vmem>>) semaphore(%arg19 : memref<!tpu.dma_semaphore, #tpu.memory_space<semaphore_mem>>)
      } else {
      }
    }
    %scan3A_175 = arith.constant 40 : i32
    %dma_wait3A_176 = arith.constant 2 : i32
    %dma_wait3A_177 = arith.constant 2 : i32
    %dma_wait3A_178 = arith.constant 0 : i32
    %dma_wait3A_179 = arith.constant 0 : i32
    %dma_wait3A_180 = tpu.memref_slice %arg9[%dma_wait3A_176, %dma_wait3A_178, %dma_wait3A_179] : memref<4x64x128xf32, #tpu.memory_space<vmem>> -> memref<1x64x128xf32, #tpu.memory_space<vmem>>
    %dma_wait3A_181 = tpu.memref_squeeze %dma_wait3A_180 : memref<1x64x128xf32, #tpu.memory_space<vmem>> -> memref<64x128xf32, #tpu.memory_space<vmem>>
    %dma_wait3A_182 = arith.constant 0 : i32
    %dma_wait3A_183 = tpu.memref_slice %arg8[%dma_wait3A_177, %dma_wait3A_182] : memref<4x64xi32, #tpu.memory_space<vmem>> -> memref<1x64xi32, #tpu.memory_space<vmem>>
    %dma_wait3A_184 = tpu.memref_squeeze %dma_wait3A_183 : memref<1x64xi32, #tpu.memory_space<vmem>> -> memref<64xi32, #tpu.memory_space<vmem>>
    %dma_wait3A_185 = arith.constant 0 : i32
    %dma_wait3A_186 = arith.constant 0 : i32
    %dma_wait3A_187 = tpu.memref_slice %arg6[%dma_wait3A_185, %dma_wait3A_186] : memref<10112x128xf32, #tpu.memory_space<vmem_shared>> -> memref<10112x128xf32, #tpu.memory_space<vmem_shared>>
    tpu.wait_indirect_dma semaphore(%arg24 : memref<!tpu.dma_semaphore, #tpu.memory_space<semaphore_mem>>) src(%dma_wait3A_181 : memref<64x128xf32, #tpu.memory_space<vmem>>) dst(%dma_wait3A_187 : memref<10112x128xf32, #tpu.memory_space<vmem_shared>>)
    %dma_wait3A_188 = arith.constant 3 : i32
    %dma_wait3A_189 = arith.constant 3 : i32
    %dma_wait3A_190 = arith.constant 0 : i32
    %dma_wait3A_191 = arith.constant 0 : i32
    %dma_wait3A_192 = tpu.memref_slice %arg9[%dma_wait3A_188, %dma_wait3A_190, %dma_wait3A_191] : memref<4x64x128xf32, #tpu.memory_space<vmem>> -> memref<1x64x128xf32, #tpu.memory_space<vmem>>
    %dma_wait3A_193 = tpu.memref_squeeze %dma_wait3A_192 : memref<1x64x128xf32, #tpu.memory_space<vmem>> -> memref<64x128xf32, #tpu.memory_space<vmem>>
    %dma_wait3A_194 = arith.constant 0 : i32
    %dma_wait3A_195 = tpu.memref_slice %arg8[%dma_wait3A_189, %dma_wait3A_194] : memref<4x64xi32, #tpu.memory_space<vmem>> -> memref<1x64xi32, #tpu.memory_space<vmem>>
    %dma_wait3A_196 = tpu.memref_squeeze %dma_wait3A_195 : memref<1x64xi32, #tpu.memory_space<vmem>> -> memref<64xi32, #tpu.memory_space<vmem>>
    %dma_wait3A_197 = arith.constant 0 : i32
    %dma_wait3A_198 = arith.constant 0 : i32
    %dma_wait3A_199 = tpu.memref_slice %arg6[%dma_wait3A_197, %dma_wait3A_198] : memref<10112x128xf32, #tpu.memory_space<vmem_shared>> -> memref<10112x128xf32, #tpu.memory_space<vmem_shared>>
    tpu.wait_indirect_dma semaphore(%arg25 : memref<!tpu.dma_semaphore, #tpu.memory_space<semaphore_mem>>) src(%dma_wait3A_193 : memref<64x128xf32, #tpu.memory_space<vmem>>) dst(%dma_wait3A_199 : memref<10112x128xf32, #tpu.memory_space<vmem_shared>>)
    %barrier3A_200 = arith.constant 0 : index
    tpu.barrier barrier_id(%barrier3A_200)
    "tpu.region"() ({
      %run_scoped3A_201 = tpu.sem_alloc : memref<!tpu.dma_semaphore, #tpu.memory_space<semaphore_mem>>
      %dma_start3A_202 = arith.constant 0 : i32
      %dma_start3A_203 = tpu.memref_slice %arg5[%arg0, %mul3A_7, %dma_start3A_202] : memref<2x10112x128xf32, #tpu.memory_space<hbm>> -> memref<1x632x128xf32, #tpu.memory_space<hbm>>
      %dma_start3A_204 = tpu.memref_squeeze %dma_start3A_203 : memref<1x632x128xf32, #tpu.memory_space<hbm>> -> memref<632x128xf32, #tpu.memory_space<hbm>>
      %dma_start3A_205 = arith.constant 0 : i32
      %dma_start3A_206 = tpu.memref_slice %arg6[%mul3A_7, %dma_start3A_205] : memref<10112x128xf32, #tpu.memory_space<vmem_shared>> -> memref<632x128xf32, #tpu.memory_space<vmem_shared>>
      tpu.enqueue_dma source(%dma_start3A_206 : memref<632x128xf32, #tpu.memory_space<vmem_shared>>) target(%dma_start3A_204 : memref<632x128xf32, #tpu.memory_space<hbm>>) target_semaphore(%run_scoped3A_201 : memref<!tpu.dma_semaphore, #tpu.memory_space<semaphore_mem>>)
      %dma_wait3A_207 = arith.constant 0 : i32
      %dma_wait3A_208 = tpu.memref_slice %arg5[%arg0, %mul3A_7, %dma_wait3A_207] : memref<2x10112x128xf32, #tpu.memory_space<hbm>> -> memref<1x632x128xf32, #tpu.memory_space<hbm>>
      %dma_wait3A_209 = tpu.memref_squeeze %dma_wait3A_208 : memref<1x632x128xf32, #tpu.memory_space<hbm>> -> memref<632x128xf32, #tpu.memory_space<hbm>>
      %dma_wait3A_210 = arith.constant 0 : i32
      %dma_wait3A_211 = tpu.memref_slice %arg6[%mul3A_7, %dma_wait3A_210] : memref<10112x128xf32, #tpu.memory_space<vmem_shared>> -> memref<632x128xf32, #tpu.memory_space<vmem_shared>>
      tpu.wait_dma2 semaphore(%run_scoped3A_201 : memref<!tpu.dma_semaphore, #tpu.memory_space<semaphore_mem>>) src(%dma_wait3A_211 : memref<632x128xf32, #tpu.memory_space<vmem_shared>>) dst(%dma_wait3A_209 : memref<632x128xf32, #tpu.memory_space<hbm>>)
      tpu.yield
    }) : () -> ()
    return
  }
}

module attributes {stable_mosaic.version = 14 : i64} {
  func.func @_combine_body(%arg0: memref<2x10112x128xf32, #tpu.memory_space<vmem>>, %arg1: memref<10112x128xf32, #tpu.memory_space<vmem>>) attributes {dimension_semantics = [], scalar_prefetch = 0 : i64, scratch_operands = 0 : i64, tpu.core_type = #tpu.core_type<tc>} {
    %get3A = arith.constant 0 : index
    %get3A_0 = arith.constant 0 : index
    %get3A_1 = arith.constant 0 : index
    %get3A_2 = vector.load %arg0[%get3A, %get3A_0, %get3A_1] : memref<2x10112x128xf32, #tpu.memory_space<vmem>>, vector<1x10112x128xf32>
    %get3A_3 = vector.shape_cast %get3A_2 : vector<1x10112x128xf32> to vector<10112x128xf32>
    %get3A_4 = arith.constant 1 : index
    %get3A_5 = arith.constant 0 : index
    %get3A_6 = arith.constant 0 : index
    %get3A_7 = vector.load %arg0[%get3A_4, %get3A_5, %get3A_6] : memref<2x10112x128xf32, #tpu.memory_space<vmem>>, vector<1x10112x128xf32>
    %get3A_8 = vector.shape_cast %get3A_7 : vector<1x10112x128xf32> to vector<10112x128xf32>
    %add3A = arith.addf %get3A_3, %get3A_8 : vector<10112x128xf32>
    %swap3A = arith.constant 0 : index
    %swap3A_9 = arith.constant 0 : index
    %swap3A_10 = vector.load %arg1[%swap3A, %swap3A_9] : memref<10112x128xf32, #tpu.memory_space<vmem>>, vector<10112x128xf32>
    tpu.vector_store %arg1[%swap3A, %swap3A_9], %add3A {strides = array<i32>} : memref<10112x128xf32, #tpu.memory_space<vmem>>, vector<10112x128xf32>,
    return
  }
}

</mosaic_0001>

<sc_bundles>
// kernel: kernel.4.cloned.1.call-start
scs
__scs_entry_jumppad:
0x0: {  	(pc) =	sbr.rel $0x88, $3  }
0x1: {  	(tag) =	ssettag $0x0;
	lr =	simm.s32 $0x1  }
0x2: {  	[smem:$0x3F9F] =	sst lr;
	_ =	strace $0xD0000000  }
0x3: {  	_ = 	snop  }
0x4: {  	_ = 	snop  }
0x5: {  	_ = 	snop  }
0x6: {  	_ = 	snop  }
0x7: {  	_ = 	snop  }
__scs_overlays_trampoline_lowered:
0x8: {  	[smem:$0x3FAE] =	sst s0  }
0x9: {  	[smem:$0x3FAF] =	sst s1  }
0xa: {  	[smem:$0x3FB0] =	sst s2  }
0xb: {  	[smem:$0x3FB1] =	sst s3  }
0xc: {  	[smem:$0x3FB2] =	sst s4  }
0xd: {  	[smem:$0x3FB3] =	sst s5  }
0xe: {  	[smem:$0x3FB4] =	sst s6  }
0xf: {  	[smem:$0x3FB5] =	sst s7  }
0x10: {  	[smem:$0x3FB6] =	sst s8  }
0x11: {  	[smem:$0x3FB7] =	sst s9;
	s0 =	simm.s32 @!p0 $0x0  }
0x12: {  	s1 =	sld [smem:$0x3F9D];
	s0 =	simm.s32 @p0 $0x1  }
0x13: {  	[smem:$0x3FB8] =	sst s0;
	s0 =	simm.s32 @!p1 $0x0  }
0x14: {  	s2 =	sld [smem:$0x3F9C];
	s0 =	simm.s32 @p1 $0x1  }
0x15: {  	[smem:$0x3FB9] =	sst s0;
	s0 =	simm.s32 @!p2 $0x0  }
0x16: {  	s3 =	sld [smem:$0x3FDB];
	s0 =	simm.s32 @p2 $0x1  }
0x17: {  	s4 =	simm.s32 $0x1BF5;
	[smem:$0x3FBB] =	sst s0  }
0x18: {  	s0 =	sld [smem:$0x3F9E];
	_ =	swait.ge [sflag:s4], $0x0  }
0x19: {  	s7 =	sld [smem:$0x3F9F]  }
0x1a: {  	s8 =	sadd.s32 $0xFFFFE003, lr  }
0x1b: {  	s9 =	sadd.s32 $0xFFFFFEF7, lr;
	s5 =	simm.s32 $0xFFFFFFFF;
	p2 =	slt.u32 s8, $0xFFFFF086  }
0x1c: {  	p1 =	slt.u32 s9, $0xF7A;
	s5 =	simm.s32 @!p2 $0x0  }
0x1d: {  	s5 =	simm.s32 @p1 $0x1;
	p0 =	seq.s32 s7, s2  }
0x1e: {  	s7 =	smul.u32 @!p0 $0xF7A, s2;
	p2 =	seq.s32 @!p0 s5, $0x0  }
0x1f: {  	s9 =	smul.u32 $0xF7A, s1;
	s8 =	simm.s32 @!p0 $0x1BF5;
	p2 =	por !p2, p0  }
0x20: {  	[sflag:s8] =	ssyncset.s32 @!p0 $0xFFFFF086;
	s6 =	sadd.s32 @!p0 s3, s7;
	s7 =	simm.s32 @!p0 $0x108  }
0x21: {  	s3 =	sadd.s32 s3, s9;
	s6 =	sadd.s32 @!p0 $0x88, s6;
	s7 =	simm.s32 @p2 $0x1082  }
0x22: {  	[simem:s7], [sflag:s8] =	dma.local @!p0 [hbm:s6], $0xF7A  }
0x23: {  	s9 =	sor.u32 $0xD0000000, s2;
	s6 =	simm.s32 $0x108;
	_ =	swait.ge @!p0 [sflag:s8], $0x0  }
0x24: {  	s3 =	sadd.s32 $0x88, s3;
	s6 =	simm.s32 @!p1 $0x1082;
	[sflag:s4] =	ssyncset.s32 $0xFFFFF086  }
0x25: {  	[simem:s6], [sflag:s4] =	dma.local [hbm:s3], $0xF7A  }
0x26: {  	[smem:$0x3F9F] =	sst s1;
	(tag) =	ssettag s2;
	_ =	strace s9  }
0x27: {  	s1 =	sld [smem:$0x3FAF]  }
0x28: {  	s2 =	sld [smem:$0x3FB0]  }
0x29: {  	s4 =	sld [smem:$0x3FB2]  }
0x2a: {  	p0 =	seq.s32 s5, $0x0;
	s5 =	sld [smem:$0x3FB3]  }
0x2b: {  	s6 =	sld [smem:$0x3FB4]  }
0x2c: {  	s7 =	sld [smem:$0x3FB5]  }
0x2d: {  	s3 =	simm.s32 $0x108;
	s8 =	sld [smem:$0x3FB6]  }
0x2e: {  	s3 =	simm.s32 @!p0 $0x1082;
	s9 =	sld [smem:$0x3FB7]  }
0x2f: {  	lr =	sadd.s32 s0, s3;
	s0 =	sld [smem:$0x3FAE]  }
0x30: {  	s3 =	sld [smem:$0x3FB1]  }
0x31: {  	[smem:$0x3FBA] =	sst s10  }
0x32: {  	s10 =	sld [smem:$0x3FB8];
	_ =	sdelay $0x3  }
0x33: {  	p0 =	seq.s32 s10, $0x1;
	s10 =	sld [smem:$0x3FBA];
	_ =	sdelay $0x3  }
0x34: {  	[smem:$0x3FBA] =	sst s10  }
0x35: {  	s10 =	sld [smem:$0x3FB9];
	_ =	sdelay $0x3  }
0x36: {  	p1 =	seq.s32 s10, $0x1;
	s10 =	sld [smem:$0x3FBA];
	_ =	sdelay $0x3  }
0x37: {  	[smem:$0x3FBA] =	sst s10  }
0x38: {  	s10 =	sld [smem:$0x3FBB]  }
0x39: {  	_ = 	snop;
	(pc) =	sbr.ind lr, $3  }
0x3a: {  	_ = 	snop  }
0x3b: {  	_ = 	snop  }
0x3c: {  	p2 =	seq.s32 s10, $0x1;
	s10 =	sld [smem:$0x3FBA]  }
0x3d: {  	_ =	shalt  }
0x3e: {  	_ =	shalt  }
0x3f: {  	_ =	shalt  }
0x40: {  	_ =	shalt  }
0x41: {  	_ =	shalt  }
0x42: {  	_ =	shalt  }
0x43: {  	_ =	shalt  }
0x44: {  	_ =	shalt  }
0x45: {  	_ =	shalt  }
0x46: {  	_ =	shalt  }
0x47: {  	_ =	shalt  }
0x48: {  	_ =	shalt  }
0x49: {  	_ =	shalt  }
0x4a: {  	_ =	shalt  }
0x4b: {  	_ =	shalt  }
0x4c: {  	_ =	shalt  }
0x4d: {  	_ =	shalt  }
0x4e: {  	_ =	shalt  }
0x4f: {  	_ =	shalt  }
0x50: {  	_ =	shalt  }
0x51: {  	_ =	shalt  }
0x52: {  	_ =	shalt  }
0x53: {  	_ =	shalt  }
0x54: {  	_ =	shalt  }
0x55: {  	_ =	shalt  }
0x56: {  	_ =	shalt  }
0x57: {  	_ =	shalt  }
0x58: {  	_ =	shalt  }
0x59: {  	_ =	shalt  }
0x5a: {  	_ =	shalt  }
0x5b: {  	_ =	shalt  }
0x5c: {  	_ =	shalt  }
0x5d: {  	_ =	shalt  }
0x5e: {  	_ =	shalt  }
0x5f: {  	_ =	shalt  }
0x60: {  	_ =	shalt  }
0x61: {  	_ =	shalt  }
0x62: {  	_ =	shalt  }
0x63: {  	_ =	shalt  }
0x64: {  	_ =	shalt  }
0x65: {  	_ =	shalt  }
0x66: {  	_ =	shalt  }
0x67: {  	_ =	shalt  }
0x68: {  	_ =	shalt  }
0x69: {  	_ =	shalt  }
0x6a: {  	_ =	shalt  }
0x6b: {  	_ =	shalt  }
0x6c: {  	_ =	shalt  }
0x6d: {  	_ =	shalt  }
0x6e: {  	_ =	shalt  }
0x6f: {  	_ =	shalt  }
0x70: {  	_ =	shalt  }
0x71: {  	_ =	shalt  }
0x72: {  	_ =	shalt  }
0x73: {  	_ =	shalt  }
0x74: {  	_ =	shalt  }
0x75: {  	_ =	shalt  }
0x76: {  	_ =	shalt  }
0x77: {  	_ =	shalt  }
0x78: {  	_ =	shalt  }
0x79: {  	_ =	shalt  }
0x7a: {  	_ =	shalt  }
0x7b: {  	_ =	shalt  }
0x7c: {  	_ =	shalt  }
0x7d: {  	_ =	shalt  }
0x7e: {  	_ =	shalt  }
0x7f: {  	_ =	shalt  }
0x80: {  	_ =	shalt  }
0x81: {  	_ =	shalt  }
0x82: {  	_ =	shalt  }
0x83: {  	_ =	shalt  }
0x84: {  	_ =	shalt  }
0x85: {  	_ =	shalt  }
0x86: {  	_ =	shalt  }
0x87: {  	_ =	shalt  }
.Lfunc_end0:
.L_simem_size_0:
called_computation_lowered:
.L_overlay_start_0:
0x88: {  	s2 =	sld [smem:$0x3FD9]  }
0x89: {  	s3 =	sld [smem:$0x3FFE];
	_ =	sdelay $0x1  }
0x8a: {  	s1 =	srdreg.scid  }
0x8b: {  	s0 =	sand.u32 $0x1, s1  }
0x8c: {  	s17 =	sshll.u32 s0, $0xA;
	s2 =	sadd.s32 s3, s2  }
0x8d: {  	s2 =	sadd.s32 s2, s17  }
0x8e: {  	[smem:$0x3FC6] =	sst s2  }
0x8f: {  	_ = 	snop  }
0x90: {  	s2 =	sld [smem:$0x3FC9]  }
0x91: {  	s18 =	sld [smem:$0x3FD0];
	(tm) =	ssettm $0x1  }
0x92: {  	s4 =	sld [smem:$0x3FFB];
	_ =	sdelay $0x3  }
0x93: {  	_ =	strace s4  }
0x94: {  	s4 =	sld [smem:$0x3FFC];
	_ =	sdelay $0x3  }
0x95: {  	_ =	strace s4  }
0x96: {  	s4 =	sld [smem:$0x3FFD];
	_ =	sdelay $0x3  }
0x97: {  	_ =	strace s4  }
0x98: {  	_ =	strace $0x8FFFFFFF  }
0x99: {  	s19 =	sld [smem:$0x3FDB];
	_ =	sdelay $0x1  }
0x9a: {  	s5 =	simm.s32 $_scs_section_size  }
0x9b: {  	s6 =	simm.s32 $_size__tile_overlayer_lowered;
	s7 =	simm.s32 $_tile_overlayer_lowered  }
0x9c: {  	s22 =	simm.s32 $0x1BFF;
	s21 =	sshll.u32 s7, $0x1;
	s4 =	sadd.s32 s5, s19  }
0x9d: {  	s8 =	simm.s32 $0x0;
	s20 =	sshll.u32 s6, $0x1;
	s6 =	sadd.s32 s21, s4  }
0x9e: {  	[timem:s8], [sflag:s22] =	dma.local [hbm:s6], s20  }
0x9f: {  	_ =	swait.ge [sflag:s22], s20  }
0xa0: {  	s5 =	ssub.s32 $0x0, s20;
	[sflag:s22] =	ssyncset.done $0x0  }
0xa1: {  	[sflag:s22] =	ssyncadd.s32 s5;
	_ =	sdelay $0x1  }
0xa2: {  	s23 =	simm.s32 $0x1B8B  }
0xa3: {  	_ =	swait.ge [sflag:s23], $0x1  }
0xa4: {  	[sflag:s23] =	ssyncset.done $0x0  }
0xa5: {  	s25 =	simm.s32 $0x1B8E;
	s24 =	sld [smem:$0x3FFE];
	[sflag:s23] =	ssyncadd.s32 $0xFFFFFFFF  }
0xa6: {  	s26 =	simm.s32 $execute0_lowered;
	[smem:$0x3FD2] =	sst s25  }
0xa7: {  	s6 =	sshll.u32 s26, $0x1;
	_ =	strace $0x80000046;
	[dreg:$0x1] =	wrdreg $0xFFFFFFFF  }
0xa8: {  	s28 =	simm.s32 $_size_execute0_lowered;
	s4 =	sadd.s32 s4, s6;
	[dreg:$0x0] =	wrdreg $0x0  }
0xa9: {  	s6 =	sshll.u32 s28, $0x1;
	[dreg:$0x2] =	wrdreg s4  }
0xaa: {  	[dreg:$0x3] =	wrdreg s6  }
0xab: {  	[dreg:$0x4] =	wrdreg $0xC0  }
0xac: {  	_ =	task [dreg:s8], $0x5FFFF  }
0xad: {  	[dreg:$0x1] =	wrdreg $0xFFFFFFFF  }
0xae: {  	[dreg:$0x0] =	wrdreg $0x60  }
0xaf: {  	[dreg:$0x2] =	wrdreg s2  }
0xb0: {  	[dreg:$0x3] =	wrdreg s18  }
0xb1: {  	[dreg:$0x4] =	wrdreg s24  }
0xb2: {  	[dreg:$0x5] =	wrdreg $0x0  }
0xb3: {  	[dreg:$0x6] =	wrdreg $0x9  }
0xb4: {  	_ =	task.clear_ibuf [dreg:s8], $0x7FFFF;
	_ =	strace $0x90000046  }
0xb5: {  	s29 =	simm.s32 $0x9;
	_ =	strace $0x80000048  }
0xb6: {  	_ =	swait.ge [sflag:s29], $0x1  }
0xb7: {  	[sflag:s29] =	ssyncadd.s32 $0xFFFFFFFF  }
0xb8: {  	_ =	strace $0x90000048  }
0xb9: {  	_ =	sfence  }
0xba: {  	s30 =	sld [smem:$0x0];
	_ =	sdelay $0x2  }
0xbb: {  	s31 =	sshll.u32 s1, $0xD;
	s1 =	sshrl.u32 s1, $0x2  }
0xbc: {  	s3 =	sand.u32 $0x4000, s31;
	s1 =	sadd.s32 s1, s30  }
0xbd: {  	s0 =	sor.u32 s3, s0;
	s1 =	sshll.u32 s1, $0x11  }
0xbe: {  	s0 =	sor.u32 s1, s0  }
0xbf: {  	s0 =	sadd.s32 $0x8F2B, s0  }
0xc0: {  	[sflag:s0] =	ssyncadd.remote.s32 $0x1  }
0xc1: {  	_ =	sfence.sel $0xFFFF  }
0xc2: {  	[dreg:$0x0] =	wrdreg $0xFFFFFFFF;
	(pc) =	sbr.abs _section_cstart, $3  }
0xc3: {  	[dreg:$0x1] =	wrdreg $0xFFFFFFFF  }
0xc4: {  	_ =	task.clear_ibuf [dreg:s8], $0x2FFFF;
	_ =	strace $0x9FFFFFFF  }
0xc5: {  	(tm) =	ssettm $0x7FFFFFFF  }
tec
execute0_lowered:
.L_overlay_start_1:
0x0: {  	(tag) =	ssettag $0x1  }
0x1: {  	s1 =	rddreg [dreg:$0x0]  }
0x2: {  	s2 =	rddreg [dreg:$0x1]  }
0x3: {  	s0 =	srdreg.scid;
	s4 =	rddreg [dreg:$0x2]  }
0x4: {  	s10 =	stileid.u32;
	s5 =	rddreg [dreg:$0x3]  }
0x5: {  	s6 =	simm.s32 $0x0;
	s0 =	sand.u32 $0x1, s0;
	s7 =	smul.u32 $0x13C00, s10  }
0x6: {  	s28 =	simm.s32 $0x11;
	s12 =	smul.u32 $0x4F000, s10;
	s8 =	ssub.s32 $0x2, s0  }
0x7: {  	[smem:$0x7FF] =	sst s6;
	s3 =	smul.u32 $0x13C000, s0;
	s9 =	sshrl.u32 s8, $0x1  }
0x8: {  	s29 =	simm.s32 $0x1A000;
	_ =	strace $0x80000047;
	s8 =	ssub.s32 s8, s9  }
0x9: {  	s3 =	sadd.s32 s7, s3;
	s7 =	sshrl.u32 s12, $0x2;
	s31 =	smax.u32 s8, $0x1  }
0xa: {  	s0 =	sshll.u32 s0, $0x4;
	s16 =	sadd.s32 s7, s5;
	[dreg:$0x16] =	wrdreg s31  }
0xb: {  	s0 =	sor.u32 s10, s0;
	s7 =	sadd.s32 $0x2000, s16;
	[dreg:$0x5] =	wrdreg s16  }
0xc: {  	s10 =	smul.u32 $0x5000, s0;
	s13 =	sadd.s32 $0x4000, s16;
	[dreg:$0x6] =	wrdreg s7  }
0xd: {  	s12 =	simm.s32 $0x2;
	s14 =	sadd.s32 $0x6000, s16;
	[dreg:$0x7] =	wrdreg s13  }
0xe: {  	s3 =	sshrl.u32 s3, $0x3;
	s15 =	sadd.s32 $0x8000, s16;
	[dreg:$0x8] =	wrdreg s14  }
0xf: {  	s8 =	simm.s32 $0x13E80;
	s17 =	sadd.s32 $0xA000, s16;
	[dreg:$0x9] =	wrdreg s15  }
0x10: {  	s3 =	sadd.s32 s3, s4;
	s18 =	sadd.s32 $0xC000, s16;
	[dreg:$0xa] =	wrdreg s17  }
0x11: {  	s19 =	sadd.s32 $0xE000, s16;
	s20 =	sshrl.u32 s10, $0x3;
	[dreg:$0xb] =	wrdreg s18  }
0x12: {  	s21 =	sadd.s32 $0x10000, s16;
	s11 =	sadd.s32 $0x12000, s16;
	[dreg:$0xc] =	wrdreg s19  }
0x13: {  	[dreg:$0xd] =	wrdreg s21;
	s22 =	sadd.s32 s2, s20;
	s23 =	sor.u32 $0x10, s20  }
0x14: {  	[dreg:$0xf] =	wrdreg s11;
	s0 =	sadd.s32 s4, s20;
	s30 =	sadd.s32 $0x14000, s3  }
0x15: {  	s11 =	simm.s32 $0x40;
	s13 =	simm.s32 $0x16000;
	s14 =	simm.s32 $0x9  }
0x16: {  	s15 =	simm.s32 $0x5;
	s18 =	simm.s32 $0x3;
	[dreg:$0xe] =	wrdreg s22  }
0x17: {  	s19 =	simm.s32 $0x18000;
	s20 =	simm.s32 $0xA;
	[dreg:$0x13] =	wrdreg s0  }
0x18: {  	s21 =	simm.s32 $0x6;
	s24 =	sadd.s32 s2, s23;
	[dreg:$0x15] =	wrdreg s30  }
.Ltmp0:
0x19: {  	s25 =	sadd.s32 $0x20, s22;
	[dreg:$0x10] =	wrdreg s24;
	(pc) =	sbr.rel .LBB2_1-.Ltmp0, $4  }
0x1a: {  	s17 =	simm.s32 $0xE;
	s9 =	sadd.s32 $0x30, s22;
	[dreg:$0x11] =	wrdreg s25  }
0x1b: {  	s26 =	sadd.s32 s4, s23;
	s22 =	simm.s32 $0x13F80;
	[dreg:$0x12] =	wrdreg s9  }
0x1c: {  	s23 =	simm.s32 $0x4;
	s0 =	simm.s32 $0x0;
	[dreg:$0x14] =	wrdreg s26  }
0x1d: {  	v0 =	vimm.f32 $0.0e+00;
	s26 =	simm.s32 $0x14000;
	s24 =	simm.s32 $0xB;
	s25 =	simm.s32 $0x8  }
.LBB2_6:
0x1e: {  	s0 =	simm.s32 $0xF  }
0x1f: {  	_ =	swait.ge [sflag:s0], $0x2000  }
0x20: {  	[sflag:s0] =	ssyncset.done $0x0  }
0x21: {  	s16 =	simm.s32 $0x10;
	[sflag:s0] =	ssyncadd.s32 $0xFFFFE000  }
0x22: {  	_ =	swait.ge [sflag:s16], $0x2000  }
0x23: {  	[sflag:s16] =	ssyncset.done $0x0  }
0x24: {  	[sflag:s16] =	ssyncadd.s32 $0xFFFFE000  }
0x25: {  	s3 =	stileid.u32;
	[bflag:$0x0] =	sbarrier.arrive $0xFFFF  }
0x26: {  	s28 =	simm.s32 $0x11;
	s3 =	sshll.u32 s3, $0x6;
	s16 =	rddreg [dreg:$0x5]  }
0x27: {  	s3 =	sor.u32 $0x1C11, s3;
	s9 =	rddreg [dreg:$0x15];
	s7 =	sshrl.u32 s16, $0x3  }
0x28: {  	[hbm:s9], [sflag:s3] =	dma.local [spmem:s7], $0x2780  }
0x29: {  	_ =	swait.ge [sflag:s28], $0x2780  }
0x2a: {  	s30 =	rddreg [dreg:$0x17]  }
0x2b: {  	s31 =	rddreg [dreg:$0x16];
	s0 =	sadd.s32 $0x1, s30  }
0x2c: {  	p0 =	sne.s32 s0, s31  }
.Ltmp1:
0x2d: {  	_ = 	snop;
	(pc) =	sbr.rel @!p0 .LBB2_7-.Ltmp1, $3  }
0x2e: {  	_ =	sdelay $0x1  }
0x2f: {  	[sflag:s28] =	ssyncset.done $0x0  }
0x30: {  	[sflag:s28] =	ssyncadd.s32 $0xFFFFD880  }
.LBB2_1:
0x31: {  	[dreg:$0x17] =	wrdreg s0;
	s7 =	simm.s32 $0x0;
	s9 =	simm.s32 $0x200  }
.LBB2_2:
0x32: {  	p0 =	sne.s32 s9, $0x7E00;
	[tilespmem:s7+$0x14070] =	vst v0  }
0x33: {  	[tilespmem:s7+$0x14000] =	vst v0  }
0x34: {  	[tilespmem:s7+$0x14010] =	vst v0  }
.Ltmp2:
0x35: {  	[tilespmem:s7+$0x14020] =	vst v0;
	(pc) =	sbr.rel @p0 .LBB2_2-.Ltmp2, $4  }
0x36: {  	[tilespmem:s7+$0x14030] =	vst v0  }
0x37: {  	[tilespmem:s7+$0x14040] =	vst v0  }
0x38: {  	[tilespmem:s7+$0x14050] =	vst v0  }
0x39: {  	[tilespmem:s7+$0x14060] =	vst v0;
	s7 =	sshra.s32 s9, $0x2;
	s9 =	sadd.s32 $0x200, s9  }
0x3a: {  	[tilespmem:s7+$0x14070] =	vst v0  }
0x3b: {  	[tilespmem:s7+$0x14000] =	vst v0  }
0x3c: {  	[tilespmem:s7+$0x14010] =	vst v0  }
0x3d: {  	[tilespmem:s7+$0x14020] =	vst v0  }
0x3e: {  	[tilespmem:s7+$0x14030] =	vst v0  }
0x3f: {  	[tilespmem:s7+$0x14040] =	vst v0  }
0x40: {  	[tilespmem:s7+$0x14050] =	vst v0  }
0x41: {  	[tilespmem:s7+$0x14060] =	vst v0  }
0x42: {  	[spmem:s16] =	stream.linear.scatter [tilespmem:s26], [sflag:$0x11], $0x2000, $0x38;
	[tilespmem:$0x1C000] =	vst v63  }
0x43: {  	_ =	swait.ge [sflag:s28], $0x2000  }
0x44: {  	[sflag:s28] =	ssyncset.done $0x0  }
0x45: {  	s3 =	rddreg [dreg:$0x6];
	[sflag:s28] =	ssyncadd.s32 $0xFFFFE000  }
0x46: {  	[spmem:s3] =	stream.linear.scatter [tilespmem:s26], [sflag:$0x11], $0x2000, $0x38;
	[tilespmem:$0x1C000] =	vst v63  }
0x47: {  	_ =	swait.ge [sflag:s28], $0x2000  }
0x48: {  	[sflag:s28] =	ssyncset.done $0x0  }
0x49: {  	s16 =	rddreg [dreg:$0x7];
	[sflag:s28] =	ssyncadd.s32 $0xFFFFE000  }
0x4a: {  	[spmem:s16] =	stream.linear.scatter [tilespmem:s26], [sflag:$0x11], $0x2000, $0x38;
	[tilespmem:$0x1C000] =	vst v63  }
0x4b: {  	_ =	swait.ge [sflag:s28], $0x2000  }
0x4c: {  	[sflag:s28] =	ssyncset.done $0x0  }
0x4d: {  	s30 =	rddreg [dreg:$0x8];
	[sflag:s28] =	ssyncadd.s32 $0xFFFFE000  }
0x4e: {  	[spmem:s30] =	stream.linear.scatter [tilespmem:s26], [sflag:$0x11], $0x2000, $0x38;
	[tilespmem:$0x1C000] =	vst v63  }
0x4f: {  	_ =	swait.ge [sflag:s28], $0x2000  }
0x50: {  	[sflag:s28] =	ssyncset.done $0x0  }
0x51: {  	s31 =	rddreg [dreg:$0x9];
	[sflag:s28] =	ssyncadd.s32 $0xFFFFE000  }
0x52: {  	[spmem:s31] =	stream.linear.scatter [tilespmem:s26], [sflag:$0x11], $0x2000, $0x38;
	[tilespmem:$0x1C000] =	vst v63  }
0x53: {  	_ =	swait.ge [sflag:s28], $0x2000  }
0x54: {  	[sflag:s28] =	ssyncset.done $0x0  }
0x55: {  	s0 =	rddreg [dreg:$0xa];
	[sflag:s28] =	ssyncadd.s32 $0xFFFFE000  }
0x56: {  	[spmem:s0] =	stream.linear.scatter [tilespmem:s26], [sflag:$0x11], $0x2000, $0x38;
	[tilespmem:$0x1C000] =	vst v63  }
0x57: {  	_ =	swait.ge [sflag:s28], $0x2000  }
0x58: {  	[sflag:s28] =	ssyncset.done $0x0  }
0x59: {  	s7 =	rddreg [dreg:$0xb];
	[sflag:s28] =	ssyncadd.s32 $0xFFFFE000  }
0x5a: {  	[spmem:s7] =	stream.linear.scatter [tilespmem:s26], [sflag:$0x11], $0x2000, $0x38;
	[tilespmem:$0x1C000] =	vst v63  }
0x5b: {  	_ =	swait.ge [sflag:s28], $0x2000  }
0x5c: {  	[sflag:s28] =	ssyncset.done $0x0  }
0x5d: {  	s9 =	rddreg [dreg:$0xc];
	[sflag:s28] =	ssyncadd.s32 $0xFFFFE000  }
0x5e: {  	[spmem:s9] =	stream.linear.scatter [tilespmem:s26], [sflag:$0x11], $0x2000, $0x38;
	[tilespmem:$0x1C000] =	vst v63  }
0x5f: {  	_ =	swait.ge [sflag:s28], $0x2000  }
0x60: {  	[sflag:s28] =	ssyncset.done $0x0  }
0x61: {  	s16 =	rddreg [dreg:$0xd];
	[sflag:s28] =	ssyncadd.s32 $0xFFFFE000  }
0x62: {  	[spmem:s16] =	stream.linear.scatter [tilespmem:s26], [sflag:$0x11], $0x2000, $0x38;
	[tilespmem:$0x1C000] =	vst v63  }
0x63: {  	_ =	swait.ge [sflag:s28], $0x2000  }
0x64: {  	[sflag:s28] =	ssyncset.done $0x0  }
0x65: {  	s30 =	rddreg [dreg:$0xf];
	[sflag:s28] =	ssyncadd.s32 $0xFFFFE000  }
0x66: {  	[spmem:s30] =	stream.linear.scatter [tilespmem:s26], [sflag:$0x11], $0x1C00, $0x38;
	[tilespmem:$0x1C000] =	vst v63  }
0x67: {  	_ =	swait.ge [sflag:s28], $0x1C00  }
0x68: {  	[sflag:s28] =	ssyncset.done $0x0  }
0x69: {  	[sflag:s28] =	ssyncadd.s32 $0xFFFFE400  }
0x6a: {  	[bflag:$0x0] =	sbarrier.arrive $0xFFFF  }
0x6b: {  	s7 =	simm.s32 $0x0;
	s9 =	simm.s32 $0x13C00;
	s31 =	rddreg [dreg:$0xe]  }
0x6c: {  	[tilespmem:s9], [sflag:$0x1] =	stream.linear.gather [hbm4b:s31+s7], $0x80, $0x38;
	[tilespmem:$0x1C000] =	vst v63  }
0x6d: {  	s16 =	simm.s32 $0x13C80;
	s0 =	rddreg [dreg:$0x10]  }
0x6e: {  	[tilespmem:s16], [sflag:$0x2] =	stream.linear.gather [hbm4b:s0+s7], $0x80, $0x38;
	[tilespmem:$0x1C000] =	vst v63  }
0x6f: {  	s28 =	rddreg [dreg:$0x11];
	s0 =	simm.s32 $0x13D00  }
0x70: {  	[tilespmem:s0], [sflag:$0x3] =	stream.linear.gather [hbm4b:s28+s7], $0x80, $0x38;
	[tilespmem:$0x1C000] =	vst v63  }
0x71: {  	s30 =	rddreg [dreg:$0x12];
	s31 =	simm.s32 $0x13D80  }
0x72: {  	[tilespmem:s31], [sflag:$0x4] =	stream.linear.gather [hbm4b:s30+s7], $0x80, $0x38;
	[tilespmem:$0x1C000] =	vst v63  }
0x73: {  	s0 =	rddreg [dreg:$0x13];
	s28 =	simm.s32 $0x13E00  }
0x74: {  	[tilespmem:s28], [sflag:$0x5] =	stream.linear.gather [hbm4b:s0+s7], $0x80, $0x38;
	[tilespmem:$0x1C000] =	vst v63  }
0x75: {  	s30 =	rddreg [dreg:$0x14];
	s31 =	simm.s32 $0x1  }
0x76: {  	[tilespmem:s8], [sflag:$0x6] =	stream.linear.gather [hbm4b:s30+s7], $0x80, $0x38;
	[tilespmem:$0x1C000] =	vst v63  }
0x77: {  	_ =	swait.ge [sflag:s31], $0x80  }
0x78: {  	[sflag:s31] =	ssyncset.done $0x0  }
0x79: {  	[sflag:s31] =	ssyncadd.s32 $0xFFFFFF80  }
0x7a: {  	[tilespmem:s26], [sflag:$0x9] =	stream.indirect.gather [hbm4b:s1+s11], $0x80, s9, s11, $0xb8;
	[tilespmem:$0x1C000] =	vst v63  }
0x7b: {  	_ =	swait.ge [sflag:s12], $0x80  }
0x7c: {  	[sflag:s12] =	ssyncset.done $0x0  }
0x7d: {  	s0 =	simm.s32 $0x13C80;
	[sflag:s12] =	ssyncadd.s32 $0xFFFFFF80  }
0x7e: {  	[tilespmem:s13], [sflag:$0xA] =	stream.indirect.gather [hbm4b:s1+s11], $0x80, s16, s11, $0xb8;
	[tilespmem:$0x1C000] =	vst v63  }
.LBB2_4:
0x7f: {  	p0 =	seq.s32 s7, $0x4E00  }
0x80: {  	s9 =	sadd.s32 @!p0 $0x200, s7  }
0x81: {  	s28 =	sand.u32 @!p0 $0xFC00, s9  }
0x82: {  	_ =	swait.ge [sflag:s14], $0x2000;
	s9 =	sand.u32 @!p0 $0x200, s9;
	s28 =	sadd.s32 @!p0 s10, s28  }
0x83: {  	[sflag:s14] =	ssyncset.done $0x0;
	s9 =	sor.u32 @!p0 s9, s28  }
0x84: {  	[sflag:s14] =	ssyncadd.s32 $0xFFFFE000;
	s30 =	sshrl.u32 @!p0 s9, $0x3  }
0x85: {  	s28 =	simm.s32 @!p0 $0x13C00;
	s9 =	simm.s32 @!p0 $0x0;
	s31 =	sadd.s32 @!p0 s2, s30  }
0x86: {  	[tilespmem:s28], [sflag:$0x1] =	stream.linear.gather @!p0 [hbm4b:s31+s9], $0x80, $0x38;
	[tilespmem:$0x1C000] =	vst v63  }
0x87: {  	s3 =	simm.s32 $0x13E00;
	_ =	swait.ge [sflag:s15], $0x80  }
0x88: {  	s16 =	sand.u32 $0x7C00, s7;
	p1 =	seq.s32 s7, $0x0;
	[sflag:s15] =	ssyncset.done $0x0  }
0x89: {  	s31 =	sadd.s32 s10, s16;
	s16 =	sand.u32 $0x200, s7;
	[sflag:s15] =	ssyncadd.s32 $0xFFFFFF80  }
0x8a: {  	[spmem:s5] =	stream.indirect.scatter.add.f32 [tilespmem:s26], [sflag:$0xD], $0x80, s3, s11, $0xb8;
	[tilespmem:$0x1C000] =	vst v63  }
0x8b: {  	s16 =	sor.u32 s16, s31;
	s3 =	simm.s32 @!p1 $0xF  }
0x8c: {  	s16 =	sshrl.u32 s16, $0x3;
	_ =	swait.ge @!p1 [sflag:s3], $0x2000  }
0x8d: {  	s16 =	sadd.s32 s16, s4;
	[sflag:s3] =	ssyncset.done @!p1 $0x0  }
0x8e: {  	s31 =	simm.s32 $0x13F00;
	[sflag:s3] =	ssyncadd.s32 @!p1 $0xFFFFE000;
	s3 =	sadd.s32 $0x20, s16  }
0x8f: {  	[tilespmem:s31], [sflag:$0x7] =	stream.linear.gather [hbm4b:s3+s6], $0x80, $0x38;
	[tilespmem:$0x1C000] =	vst v63  }
0x90: {  	_ =	swait.ge [sflag:s18], $0x80  }
0x91: {  	[sflag:s18] =	ssyncset.done $0x0  }
0x92: {  	s31 =	simm.s32 $0x13D00;
	s3 =	sadd.s32 @!p0 $0x280, s7;
	[sflag:s18] =	ssyncadd.s32 $0xFFFFFF80  }
0x93: {  	[tilespmem:s19], [sflag:$0xB] =	stream.indirect.gather [hbm4b:s1+s11], $0x80, s31, s11, $0xb8;
	[tilespmem:$0x1C000] =	vst v63  }
0x94: {  	s31 =	sand.u32 @!p0 $0xFC00, s3  }
0x95: {  	s3 =	sand.u32 @!p0 $0x280, s3;
	s31 =	sadd.s32 @!p0 s10, s31  }
0x96: {  	_ =	swait.ge [sflag:s20], $0x2000;
	s3 =	sor.u32 @!p0 s3, s31  }
0x97: {  	[sflag:s20] =	ssyncset.done $0x0;
	s3 =	sshrl.u32 @!p0 s3, $0x3  }
0x98: {  	s31 =	simm.s32 @!p0 $0x13C80;
	[sflag:s20] =	ssyncadd.s32 $0xFFFFE000;
	s3 =	sadd.s32 @!p0 s2, s3  }
0x99: {  	[tilespmem:s31], [sflag:$0x2] =	stream.linear.gather @!p0 [hbm4b:s3+s9], $0x80, $0x38;
	[tilespmem:$0x1C000] =	vst v63  }
0x9a: {  	_ =	swait.ge [sflag:s21], $0x80  }
0x9b: {  	[sflag:s21] =	ssyncset.done $0x0  }
0x9c: {  	s3 =	simm.s32 @!p1 $0x10;
	[sflag:s21] =	ssyncadd.s32 $0xFFFFFF80  }
0x9d: {  	[spmem:s5] =	stream.indirect.scatter.add.f32 [tilespmem:s13], [sflag:$0xE], $0x80, s8, s11, $0xb8;
	[tilespmem:$0x1C000] =	vst v63  }
0x9e: {  	_ =	swait.ge @!p1 [sflag:s3], $0x2000  }
0x9f: {  	[sflag:s3] =	ssyncset.done @!p1 $0x0  }
0xa0: {  	s16 =	sadd.s32 $0x30, s16;
	[sflag:s3] =	ssyncadd.s32 @!p1 $0xFFFFE000  }
0xa1: {  	[tilespmem:s22], [sflag:$0x8] =	stream.linear.gather [hbm4b:s16+s6], $0x80, $0x38;
	[tilespmem:$0x1C000] =	vst v63  }
0xa2: {  	_ =	swait.ge [sflag:s23], $0x80  }
0xa3: {  	[sflag:s23] =	ssyncset.done $0x0  }
0xa4: {  	s31 =	simm.s32 $0x13D80;
	[sflag:s23] =	ssyncadd.s32 $0xFFFFFF80  }
0xa5: {  	[tilespmem:s29], [sflag:$0xC] =	stream.indirect.gather [hbm4b:s1+s11], $0x80, s31, s11, $0xb8;
	[tilespmem:$0x1C000] =	vst v63  }
0xa6: {  	_ =	swait.ge [sflag:s24], $0x2000  }
0xa7: {  	[sflag:s24] =	ssyncset.done $0x0  }
0xa8: {  	s3 =	simm.s32 @p0 $0x7;
	[sflag:s24] =	ssyncadd.s32 $0xFFFFE000  }
0xa9: {  	_ =	swait.ge @p0 [sflag:s3], $0x80  }
0xaa: {  	s16 =	simm.s32 @p0 $0x13F00;
	[sflag:s3] =	ssyncset.done @p0 $0x0  }
0xab: {  	s31 =	simm.s32 @p0 $0x18000;
	[sflag:s3] =	ssyncadd.s32 @p0 $0xFFFFFF80;
	s3 =	simm.s32 @p0 $0x40  }
0xac: {  	[spmem:s5] =	stream.indirect.scatter.add.f32 @p0 [tilespmem:s31], [sflag:$0xF], $0x80, s16, s3, $0xb8;
	[tilespmem:$0x1C000] =	vst v63  }
0xad: {  	s3 =	simm.s32 @p0 $0xD  }
0xae: {  	_ =	swait.ge @p0 [sflag:s3], $0x2000  }
0xaf: {  	s16 =	sadd.s32 @!p0 $0x300, s7;
	[sflag:s3] =	ssyncset.done @p0 $0x0  }
0xb0: {  	[sflag:s3] =	ssyncadd.s32 @p0 $0xFFFFE000;
	s3 =	sand.u32 @!p0 $0xFC00, s16  }
0xb1: {  	s31 =	simm.s32 @p0 $0xC;
	s16 =	sand.u32 @!p0 $0x300, s16;
	s3 =	sadd.s32 @!p0 s10, s3  }
0xb2: {  	_ =	swait.ge @p0 [sflag:s31], $0x2000;
	s3 =	sor.u32 @!p0 s16, s3  }
0xb3: {  	[sflag:s31] =	ssyncset.done @p0 $0x0;
	s3 =	sshrl.u32 @!p0 s3, $0x3  }
0xb4: {  	s16 =	simm.s32 @!p0 $0x13D00;
	[sflag:s31] =	ssyncadd.s32 @p0 $0xFFFFE000;
	s3 =	sadd.s32 @!p0 s2, s3  }
0xb5: {  	[tilespmem:s16], [sflag:$0x3] =	stream.linear.gather @!p0 [hbm4b:s3+s9], $0x80, $0x38;
	[tilespmem:$0x1C000] =	vst v63  }
0xb6: {  	s3 =	simm.s32 @!p0 $0x7  }
0xb7: {  	_ =	swait.ge @!p0 [sflag:s3], $0x80  }
0xb8: {  	s31 =	simm.s32 @!p0 $0x18000;
	[sflag:s3] =	ssyncset.done @!p0 $0x0  }
0xb9: {  	s16 =	simm.s32 @!p0 $0x13F00;
	[sflag:s3] =	ssyncadd.s32 @!p0 $0xFFFFFF80;
	s3 =	simm.s32 @!p0 $0x40  }
0xba: {  	[spmem:s5] =	stream.indirect.scatter.add.f32 @!p0 [tilespmem:s31], [sflag:$0xF], $0x80, s16, s3, $0xb8;
	[tilespmem:$0x1C000] =	vst v63  }
0xbb: {  	s16 =	simm.s32 @!p0 $0xD  }
0xbc: {  	_ =	swait.ge @!p0 [sflag:s16], $0x2000  }
0xbd: {  	[sflag:s16] =	ssyncset.done @!p0 $0x0  }
0xbe: {  	[sflag:s16] =	ssyncadd.s32 @!p0 $0xFFFFE000;
	s16 =	sadd.s32 @!p0 s4, s30;
	s30 =	simm.s32 @!p0 $0x13E00  }
0xbf: {  	[tilespmem:s30], [sflag:$0x5] =	stream.linear.gather @!p0 [hbm4b:s16+s9], $0x80, $0x38;
	[tilespmem:$0x1C000] =	vst v63  }
0xc0: {  	s16 =	simm.s32 @!p0 $0x1  }
0xc1: {  	_ =	swait.ge @!p0 [sflag:s16], $0x80  }
0xc2: {  	[sflag:s16] =	ssyncset.done @!p0 $0x0  }
0xc3: {  	[sflag:s16] =	ssyncadd.s32 @!p0 $0xFFFFFF80;
	s16 =	simm.s32 @!p0 $0x14000  }
0xc4: {  	[tilespmem:s16], [sflag:$0x9] =	stream.indirect.gather @!p0 [hbm4b:s1+s3], $0x80, s28, s3, $0xb8;
	[tilespmem:$0x1C000] =	vst v63  }
0xc5: {  	s3 =	sadd.s32 @!p0 $0x380, s7  }
0xc6: {  	s16 =	sand.u32 @!p0 $0xFC00, s3  }
0xc7: {  	s28 =	simm.s32 @!p0 $0xC;
	s3 =	sand.u32 @!p0 $0x380, s3;
	s16 =	sadd.s32 @!p0 s10, s16  }
0xc8: {  	_ =	swait.ge @!p0 [sflag:s28], $0x2000;
	s3 =	sor.u32 @!p0 s3, s16  }
0xc9: {  	[sflag:s28] =	ssyncset.done @!p0 $0x0;
	s3 =	sshrl.u32 @!p0 s3, $0x3  }
0xca: {  	[sflag:s28] =	ssyncadd.s32 @!p0 $0xFFFFE000;
	s16 =	simm.s32 @!p0 $0x13D80;
	s3 =	sadd.s32 @!p0 s2, s3  }
0xcb: {  	[tilespmem:s16], [sflag:$0x4] =	stream.linear.gather @!p0 [hbm4b:s3+s9], $0x80, $0x38;
	[tilespmem:$0x1C000] =	vst v63  }
0xcc: {  	_ =	swait.ge [sflag:s25], $0x80  }
0xcd: {  	[sflag:s25] =	ssyncset.done $0x0  }
.Ltmp3:
0xce: {  	[sflag:s25] =	ssyncadd.s32 $0xFFFFFF80;
	(pc) =	sbr.rel @p0 .LBB2_6-.Ltmp3, $4  }
0xcf: {  	[spmem:s5] =	stream.indirect.scatter.add.f32 [tilespmem:s29], [sflag:$0x10], $0x80, s22, s11, $0xb8;
	[tilespmem:$0x1C000] =	vst v63  }
0xd0: {  	_ =	swait.ge [sflag:s17], $0x2000  }
0xd1: {  	[sflag:s17] =	ssyncset.done $0x0  }
0xd2: {  	[sflag:s17] =	ssyncadd.s32 $0xFFFFE000  }
0xd3: {  	s3 =	sadd.s32 $0x280, s7  }
0xd4: {  	s9 =	sand.u32 $0xFC00, s3  }
0xd5: {  	s3 =	sand.u32 $0x280, s3;
	s9 =	sadd.s32 s10, s9  }
0xd6: {  	s3 =	sor.u32 s3, s9  }
0xd7: {  	s3 =	sshrl.u32 s3, $0x3  }
0xd8: {  	s3 =	sadd.s32 s4, s3  }
0xd9: {  	[tilespmem:s8], [sflag:$0x6] =	stream.linear.gather [hbm4b:s3+s6], $0x80, $0x38;
	[tilespmem:$0x1C000] =	vst v63  }
.Ltmp4:
0xda: {  	_ = 	snop;
	(pc) =	sbr.rel .LBB2_4-.Ltmp4, $4  }
0xdb: {  	_ =	swait.ge [sflag:s12], $0x80  }
0xdc: {  	[sflag:s12] =	ssyncset.done $0x0  }
0xdd: {  	s7 =	sadd.s32 $0x200, s7;
	[sflag:s12] =	ssyncadd.s32 $0xFFFFFF80  }
0xde: {  	[tilespmem:s13], [sflag:$0xA] =	stream.indirect.gather [hbm4b:s1+s11], $0x80, s0, s11, $0xb8;
	[tilespmem:$0x1C000] =	vst v63  }
.LBB2_7:
0xdf: {  	_ =	sfence.sel $0x180000  }
0xe0: {  	[bflag:$0x0] =	sbarrier.arrive $0xFFFF  }
0xe1: {  	_ =	strace $0x90000047  }
0xe2: {  	s0 =	stileid.u32;
	[bflag:$0x2] =	sbarrier.arrive $0xFFFF  }
0xe3: {  	p0 =	sne.s32 s0, $0x0;
	s0 =	rddreg [dreg:$0x4]  }
0xe4: {  	s0 =	sadd.s32 @!p0 $0x100000, s0  }
0xe5: {  	[sflag:s0] =	ssyncadd.tile.s32 @!p0 $0x1;
	_ =	shalt  }
.Lfunc_end2:
_tile_overlayer_lowered:
.L_overlay_start_2:
0xe6: {  	(tag) =	ssettag $0x2  }
0xe7: {  	s0 =	rddreg [dreg:$0x0];
	s2 =	stileid.u32  }
0xe8: {  	s1 =	rddreg [dreg:$0x1];
	p0 =	sne.s32 s2, $0x0  }
0xe9: {  	s3 =	rddreg [dreg:$0x2];
	[bflag:$0x3] =	sbarrier.arrive $0xFFFF;
	s2 =	simm.s32 @!p0 $0x1C11  }
0xea: {  	[timem:s3], [sflag:s2] =	dma.local @!p0 [hbm:s0], s1  }
0xeb: {  	s0 =	simm.s32 @!p0 $0x11  }
0xec: {  	_ =	swait.ge @!p0 [sflag:s0], s1  }
0xed: {  	s1 =	ssub.s32 @!p0 $0x0, s1;
	[sflag:s0] =	ssyncset.done @!p0 $0x0  }
0xee: {  	[sflag:s0] =	ssyncadd.s32 @!p0 s1  }
0xef: {  	[bflag:$0x3] =	sbarrier.arrive $0xFFFF  }
0xf0: {  	_ =	shalt  }

</sc_bundles>
